<compile_context>
chip_gen: v7x
topology: tpu7x:2x2x1
jax: 0.10.2.dev20260603
libtpu: 0.0.44.dev20260713+nightly
codegen_flags: <defaults>
</compile_context>

<pallas_src>
import functools

import jax
import jax.numpy as jnp
from jax import lax
from jax.experimental import pallas as pl
from jax.experimental.pallas import tpu as pltpu
from jax.experimental.pallas import tpu_sc as plsc

N = 2048
INPUT_DIM = 16
HIDDEN_DIM = 64
LIFT_K = 16
D_MODEL = 256
SEL_K = 8.0
LAM = 0.5
K_TOP = 16
ANCHOR_DIM = INPUT_DIM + 2
ROW_BLK = 512

_DNT = (((1,), (1,)), ((), ()))


def _encoder_kernel(x_ref, w1_ref, b1_ref, w2p_ref, scal_ref, mu_ref,
                    sigma_ref, wl_ref, bl_ref, wp_ref, bp_ref,
                    proj_ref, y_ref, idx_ref):
    x = x_ref[0]

    hidden = jnp.maximum(
        jnp.dot(x, w1_ref[...], preferred_element_type=jnp.float32)
        + b1_ref[0][None, :], 0.0)
    b2 = scal_ref[0, 1]
    saliency = (jnp.dot(hidden, w2p_ref[...],
                        preferred_element_type=jnp.float32) + b2)[:, 0]

    sq_col = jnp.sum(x * x, axis=1, keepdims=True)
    sq_row = sq_col.reshape(1, N)
    colmrow = (jax.lax.broadcasted_iota(jnp.int32, (ROW_BLK, N), 1)
               - jax.lax.broadcasted_iota(jnp.int32, (ROW_BLK, N), 0))
    n_tiles = N // 128
    diag_tiles = ROW_BLK // 128
    mins = []
    for i in range(N // ROW_BLK):
        xb = x[i * ROW_BLK:(i + 1) * ROW_BLK]
        g = jax.lax.dot_general(xb, x, _DNT, preferred_element_type=jnp.float32)
        d = sq_col[i * ROW_BLK:(i + 1) * ROW_BLK] + sq_row - 2.0 * g
        m = None
        for t in range(n_tiles):
            dt = d[:, t * 128:(t + 1) * 128]
            if diag_tiles * i <= t < diag_tiles * (i + 1):
                cmr = colmrow[:, t * 128:(t + 1) * 128]
                dt = jnp.where(cmr == i * ROW_BLK, 1e9, dt)
            m = dt if m is None else jnp.minimum(m, dt)
        mins.append(jnp.min(m, axis=1))
    dmin = jnp.concatenate(mins)

    knn = jnp.sqrt(jnp.maximum(dmin, 0.0))
    density = 1.0 / (1.0 + knn)

    f = jnp.concatenate(
        [x, knn[:, None], density[:, None], saliency[:, None]], axis=1)
    fnorm = jnp.sqrt(jnp.sum(f * f, axis=1))
    fn = f / (fnorm + 1e-8)[:, None]

    temp = scal_ref[0, 0]
    y = jax.nn.sigmoid((saliency / (2.0 * LAM) - 0.5) / temp)
    budget = jnp.maximum(jnp.sum(y), 1e-6)
    y = y * jnp.minimum(SEL_K / budget, 1.0)
    ypad = jnp.where(
        jax.lax.broadcasted_iota(jnp.int32, (8, N), 0) == 0,
        y[None, :], 0.0)
    ovs = []
    for i in range(N // ROW_BLK):
        fb = fn[i * ROW_BLK:(i + 1) * ROW_BLK]
        sim = jax.lax.dot_general(fb, fn, _DNT,
                                  preferred_element_type=jnp.float32)
        ov = jax.lax.dot_general(ypad, sim, _DNT,
                                 preferred_element_type=jnp.float32)
        ovs.append(ov[0, :])
    overlap = jnp.concatenate(ovs)
    y = y / (1.0 + overlap)
    budget = jnp.maximum(jnp.sum(y), 1e-6)
    y = y * jnp.minimum(SEL_K / budget, 1.0)
    y_ref[0, 0] = y

    iota = jax.lax.broadcasted_iota(jnp.int32, (N,), 0)
    y_work = y
    onehot_rows = []
    for _ in range(K_TOP):
        m = jnp.max(y_work)
        idx = jnp.min(jnp.where(y_work == m, iota, N))
        hit = iota == idx
        onehot_rows.append(jnp.where(hit, 1.0, 0.0)[None, :])
        y_work = jnp.where(hit, -1.0, y_work)
    onehot = jnp.concatenate(onehot_rows, axis=0)
    iota_f = jax.lax.broadcasted_iota(
        jnp.int32, (1, N), 1).astype(jnp.float32)
    idx16 = jnp.sum(onehot * iota_f, axis=1).astype(jnp.int32)
    idx_ref[0, 0] = idx16 + pl.program_id(0) * N

    zf = jnp.concatenate([x, knn[:, None], density[:, None]], axis=1)
    z = (zf - mu_ref[0][None, :]) / sigma_ref[0][None, :]
    lifted = jnp.tanh(
        jnp.dot(z, wl_ref[...], preferred_element_type=jnp.float32)
        + bl_ref[0][None, :])
    proj_ref[0] = (
        jnp.dot(lifted, wp_ref[...], preferred_element_type=jnp.float32)
        + bp_ref[0][None, :])


_SC_WORKERS = 8
_ROWS_PER_W = (4 * K_TOP) // _SC_WORKERS


def _sc_gather(idx_hbm, table_hbm, out_hbm, idx_v, rows_v, sem):
    wid = lax.axis_index("s") * 2 + lax.axis_index("c")

    @pl.when(wid < _SC_WORKERS)
    def _():
        base = wid * _ROWS_PER_W
        pltpu.sync_copy(idx_hbm.at[pl.ds(base, _ROWS_PER_W)], idx_v)
        pltpu.async_copy(table_hbm.at[idx_v], rows_v, sem).wait()
        pltpu.sync_copy(rows_v, out_hbm.at[pl.ds(base, _ROWS_PER_W)])


@jax.jit
def kernel(x, W1, b1, W2, b2, log_temperature, mu, sigma, Wl, bl, Wp, bp):
    B = x.shape[0]
    temp = jnp.clip(jnp.exp(log_temperature), 0.1, 10.0)
    scal = jnp.stack([temp, b2[0]]).reshape(1, 2).astype(jnp.float32)
    w2p = jnp.pad(W2, ((0, 0), (0, 127)))

    full = lambda *shape: pl.BlockSpec(shape, lambda b: (0,) * len(shape))
    grid_spec = pl.GridSpec(
        grid=(B,),
        in_specs=[
            pl.BlockSpec((1, N, INPUT_DIM), lambda b: (b, 0, 0)),
            full(INPUT_DIM, HIDDEN_DIM),
            full(1, HIDDEN_DIM),
            full(HIDDEN_DIM, 128),
            full(1, 2),
            full(1, ANCHOR_DIM),
            full(1, ANCHOR_DIM),
            full(ANCHOR_DIM, LIFT_K),
            full(1, LIFT_K),
            full(LIFT_K, D_MODEL),
            full(1, D_MODEL),
        ],
        out_specs=[
            pl.BlockSpec((1, N, D_MODEL), lambda b: (b, 0, 0)),
            pl.BlockSpec((1, 1, N), lambda b: (b, 0, 0)),
            pl.BlockSpec((1, 1, K_TOP), lambda b: (b, 0, 0)),
        ],
    )
    proj, y_star, idx = pl.pallas_call(
        _encoder_kernel,
        grid_spec=grid_spec,
        out_shape=[
            jax.ShapeDtypeStruct((B, N, D_MODEL), jnp.float32),
            jax.ShapeDtypeStruct((B, 1, N), jnp.float32),
            jax.ShapeDtypeStruct((B, 1, K_TOP), jnp.int32),
        ],
        compiler_params=pltpu.CompilerParams(
            dimension_semantics=("parallel",)),
    )(x, W1, b1.reshape(1, HIDDEN_DIM), w2p, scal, mu.reshape(1, ANCHOR_DIM),
      sigma.reshape(1, ANCHOR_DIM), Wl, bl.reshape(1, LIFT_K), Wp,
      bp.reshape(1, D_MODEL))

    gather = functools.partial(
        pl.kernel,
        mesh=plsc.VectorSubcoreMesh(core_axis_name="c", subcore_axis_name="s"),
        out_type=jax.ShapeDtypeStruct((B * K_TOP, D_MODEL), jnp.float32),
        scratch_types=[
            pltpu.VMEM((_ROWS_PER_W,), jnp.int32),
            pltpu.VMEM((_ROWS_PER_W, D_MODEL), jnp.float32),
            pltpu.SemaphoreType.DMA,
        ],
    )(_sc_gather)
    tokens = gather(idx.reshape(B * K_TOP), proj.reshape(B * N, D_MODEL))
    return (tokens.reshape(B, K_TOP, D_MODEL), y_star.reshape(B, N))

# --- scband reference (transcript-rebuilt; emitter-appended) ---
"""Pipeline reference for scband-topological-encoder-31808527794372 (READ-ONLY COPY).

The authoritative reference and input builder live on the scoring server;
editing this copy changes nothing except your own understanding.
"""

import jax, jax.numpy as jnp
import numpy as np

INPUT_DIM = 16
HIDDEN_DIM = 64
LIFT_K = 16
D_MODEL = 256
SEL_K = 8.0
SEL_R = 1
LAM = 0.5
MAX_PROXY = 16
ANCHOR_DIM = INPUT_DIM + 2  # structural_feature_dim(input_dim, include_selection=False)


def _pairwise_sqdist(x):
    sq = jnp.sum(x * x, axis=-1)
    d = sq[:, :, None] + sq[:, None, :] - 2.0 * jnp.einsum('bnd,bmd->bnm', x, x)
    return jnp.maximum(d, 0.0)


def _structural_features(x, selection_weights=None, knn_k=1, include_selection=True):
    B, N, _ = x.shape
    D = _pairwise_sqdist(x)
    D = D + jnp.eye(N, dtype=x.dtype)[None] * 1e9  # exclude self
    neg_vals, _ = jax.lax.top_k(-D, knn_k)  # k nearest neighbors
    knn_dist = jnp.sqrt(jnp.maximum(-neg_vals, 0.0))
    mean_knn = jnp.mean(knn_dist, axis=-1, keepdims=True)
    density = 1.0 / (1.0 + mean_knn)
    feats = [x, mean_knn, density]
    if include_selection and selection_weights is not None:
        feats.append(selection_weights[..., None])
    return jnp.concatenate(feats, axis=-1)


def _feature_similarity(f):
    fn = f / (jnp.linalg.norm(f, axis=-1, keepdims=True) + 1e-8)
    return jnp.einsum('bnd,bmd->bnm', fn, fn)


def _selector_proxy(saliency, similarity, log_temperature):
    temp = jnp.clip(jnp.exp(log_temperature), 0.1, 10.0)
    logits = (saliency / (2.0 * LAM) - 0.5) / temp
    y = jax.nn.sigmoid(logits)
    budget = jnp.clip(jnp.sum(y, axis=1, keepdims=True), 1e-6, None)
    y = y * jnp.minimum(SEL_K / budget, 1.0)
    for _ in range(SEL_R):
        overlap = jnp.einsum('bnm,bm->bn', similarity, y)
        y = y / (1.0 + overlap)
        budget = jnp.clip(jnp.sum(y, axis=1, keepdims=True), 1e-6, None)
        y = y * jnp.minimum(SEL_K / budget, 1.0)
    return y


def setup_inputs(seed: int = 0) -> dict:
    key = jax.random.key(seed)
    ks = jax.random.split(key, 8)
    x = jax.random.normal(ks[0], (4, 2048, INPUT_DIM), dtype=jnp.float32)
    W1 = jax.random.normal(ks[1], (INPUT_DIM, HIDDEN_DIM), dtype=jnp.float32) * 0.1
    b1 = jnp.zeros((HIDDEN_DIM,), dtype=jnp.float32)
    W2 = jax.random.normal(ks[2], (HIDDEN_DIM, 1), dtype=jnp.float32) * 0.1
    b2 = jnp.zeros((1,), dtype=jnp.float32)
    log_temperature = jnp.zeros((), dtype=jnp.float32)  # init_temperature=1.0
    mu = jnp.zeros((ANCHOR_DIM,), dtype=jnp.float32)
    sigma = jnp.ones((ANCHOR_DIM,), dtype=jnp.float32)
    Wl = jax.random.normal(ks[3], (ANCHOR_DIM, LIFT_K), dtype=jnp.float32) * 0.1
    bl = jnp.zeros((LIFT_K,), dtype=jnp.float32)
    Wp = jax.random.normal(ks[4], (LIFT_K, D_MODEL), dtype=jnp.float32) * 0.1
    bp = jnp.zeros((D_MODEL,), dtype=jnp.float32)
    return {'x': x, 'W1': W1, 'b1': b1, 'W2': W2, 'b2': b2,
            'log_temperature': log_temperature, 'mu': mu, 'sigma': sigma,
            'Wl': Wl, 'bl': bl, 'Wp': Wp, 'bp': bp}


def reference(x, W1, b1, W2, b2, log_temperature, mu, sigma, Wl, bl, Wp, bp):
    # CausalEventModel -> saliency scores
    hidden = jax.nn.relu(jnp.einsum('bnd,dh->bnh', x, W1) + b1)
    saliency = (jnp.einsum('bnh,ho->bno', hidden, W2) + b2)[..., 0]
    # structural features with selection weights, similarity
    struct = _structural_features(x, selection_weights=saliency, knn_k=max(1, SEL_R), include_selection=True)
    similarity = _feature_similarity(struct)
    y_star = _selector_proxy(saliency, similarity, log_temperature)
    # dense lifted cloud (NormalizedLift)
    dense = _structural_features(x, knn_k=max(1, SEL_R), include_selection=False)
    z = (dense - mu) / sigma
    lifted = jnp.tanh(jnp.einsum('bnd,dk->bnk', z, Wl) + bl)
    B, N, k_dim = lifted.shape
    K_eff = min(N, MAX_PROXY)
    _, top_idx = jax.lax.top_k(y_star, K_eff)
    idx_exp = jnp.broadcast_to(top_idx[:, :, None], (B, K_eff, k_dim))
    cloud = jnp.take_along_axis(lifted, idx_exp, axis=1)
    tokens = jnp.einsum('bkc,cd->bkd', cloud, Wp) + bp
    return (tokens, y_star)

if __name__ == "__main__":
    import jax
    _d = setup_inputs()
    print(jax.jit(kernel)(*tuple(_d.values())))

</pallas_src>

<mosaic_0001>
#map = affine_map<(d0, d1) -> (0)>
#map1 = affine_map<(d0, d1) -> (0, 0)>
module attributes {stable_mosaic.version = 14 : i64} {
  func.func @_sc_gather(%arg0: i32, %arg1: i32, %arg2: memref<64xi32, #tpu.memory_space<hbm>>, %arg3: memref<8192x256xf32, #tpu.memory_space<hbm>>, %arg4: memref<64x256xf32, #tpu.memory_space<hbm>>, %arg5: memref<8xi32, #tpu.memory_space<vmem>>, %arg6: memref<8x256xf32, #tpu.memory_space<vmem>>, %arg7: memref<!tpu.dma_semaphore, #tpu.memory_space<semaphore_mem>>) attributes {dimension_semantics = [#tpu.dimension_semantics<core_parallel>, #tpu.dimension_semantics<subcore_parallel>], iteration_bounds = array<i64: 2, 16>, scalar_prefetch = 0 : i64, scratch_operands = 3 : i64, tpu.core_type = #tpu.core_type<sc_vector_subcore>, window_params = [{transform_indices = #map}, {transform_indices = #map1}, {transform_indices = #map1}]} {
    %mul3A = arith.constant 2 : i32
    %mul3A_0 = arith.muli %arg1, %mul3A : i32
    %add3A = arith.addi %mul3A_0, %arg0 : i32
    %lt3A = arith.constant 8 : i32
    %lt3A_1 = arith.cmpi slt, %add3A, %lt3A : i32
    %convert_element_type3A = arith.extui %lt3A_1 : i1 to i32
    %cond3A = arith.constant 0 : i32
    %cond3A_2 = arith.cmpi ne, %convert_element_type3A, %cond3A : i32
    scf.if %cond3A_2 {
      %mul3A_3 = arith.constant 8 : i32
      %mul3A_4 = arith.muli %add3A, %mul3A_3 : i32
      "tpu.region"() ({
        %run_scoped3A = tpu.sem_alloc : memref<!tpu.dma_semaphore, #tpu.memory_space<semaphore_mem>>
        %dma_start3A_9 = tpu.memref_slice %arg2[%mul3A_4] : memref<64xi32, #tpu.memory_space<hbm>> -> memref<8xi32, #tpu.memory_space<hbm>>
        %dma_start3A_10 = tpu.memref_slice %arg2[%mul3A_4] : memref<64xi32, #tpu.memory_space<hbm>> -> memref<8xi32, #tpu.memory_space<hbm>>
        tpu.enqueue_dma source(%dma_start3A_10 : memref<8xi32, #tpu.memory_space<hbm>>) target(%arg5 : memref<8xi32, #tpu.memory_space<vmem>>) target_semaphore(%run_scoped3A : memref<!tpu.dma_semaphore, #tpu.memory_space<semaphore_mem>>)
        %dma_wait3A_11 = tpu.memref_slice %arg2[%mul3A_4] : memref<64xi32, #tpu.memory_space<hbm>> -> memref<8xi32, #tpu.memory_space<hbm>>
        %dma_wait3A_12 = tpu.memref_slice %arg2[%mul3A_4] : memref<64xi32, #tpu.memory_space<hbm>> -> memref<8xi32, #tpu.memory_space<hbm>>
        tpu.wait_dma2 semaphore(%run_scoped3A : memref<!tpu.dma_semaphore, #tpu.memory_space<semaphore_mem>>) src(%dma_wait3A_12 : memref<8xi32, #tpu.memory_space<hbm>>) dst(%arg5 : memref<8xi32, #tpu.memory_space<vmem>>)
        tpu.yield
      }) : () -> ()
      %dma_start3A = arith.constant 0 : i32
      %dma_start3A_5 = arith.constant 0 : i32
      %dma_start3A_6 = tpu.memref_slice %arg3[%dma_start3A, %dma_start3A_5] : memref<8192x256xf32, #tpu.memory_space<hbm>> -> memref<8192x256xf32, #tpu.memory_space<hbm>>
      tpu.enqueue_indirect_dma source(%dma_start3A_6 : memref<8192x256xf32, #tpu.memory_space<hbm>>) target(%arg6 : memref<8x256xf32, #tpu.memory_space<vmem>>) offsets(%arg5 : memref<8xi32, #tpu.memory_space<vmem>>) semaphore(%arg7 : memref<!tpu.dma_semaphore, #tpu.memory_space<semaphore_mem>>)
      %dma_wait3A = arith.constant 0 : i32
      %dma_wait3A_7 = arith.constant 0 : i32
      %dma_wait3A_8 = tpu.memref_slice %arg3[%dma_wait3A, %dma_wait3A_7] : memref<8192x256xf32, #tpu.memory_space<hbm>> -> memref<8192x256xf32, #tpu.memory_space<hbm>>
      tpu.wait_indirect_dma semaphore(%arg7 : memref<!tpu.dma_semaphore, #tpu.memory_space<semaphore_mem>>) src(%dma_wait3A_8 : memref<8192x256xf32, #tpu.memory_space<hbm>>) dst(%arg6 : memref<8x256xf32, #tpu.memory_space<vmem>>)
      "tpu.region"() ({
        %run_scoped3A = tpu.sem_alloc : memref<!tpu.dma_semaphore, #tpu.memory_space<semaphore_mem>>
        %dma_start3A_9 = arith.constant 0 : i32
        %dma_start3A_10 = tpu.memref_slice %arg4[%mul3A_4, %dma_start3A_9] : memref<64x256xf32, #tpu.memory_space<hbm>> -> memref<8x256xf32, #tpu.memory_space<hbm>>
        %dma_start3A_11 = arith.constant 0 : i32
        %dma_start3A_12 = tpu.memref_slice %arg4[%mul3A_4, %dma_start3A_11] : memref<64x256xf32, #tpu.memory_space<hbm>> -> memref<8x256xf32, #tpu.memory_space<hbm>>
        tpu.enqueue_dma source(%arg6 : memref<8x256xf32, #tpu.memory_space<vmem>>) target(%dma_start3A_12 : memref<8x256xf32, #tpu.memory_space<hbm>>) target_semaphore(%run_scoped3A : memref<!tpu.dma_semaphore, #tpu.memory_space<semaphore_mem>>)
        %dma_wait3A_13 = arith.constant 0 : i32
        %dma_wait3A_14 = tpu.memref_slice %arg4[%mul3A_4, %dma_wait3A_13] : memref<64x256xf32, #tpu.memory_space<hbm>> -> memref<8x256xf32, #tpu.memory_space<hbm>>
        %dma_wait3A_15 = arith.constant 0 : i32
        %dma_wait3A_16 = tpu.memref_slice %arg4[%mul3A_4, %dma_wait3A_15] : memref<64x256xf32, #tpu.memory_space<hbm>> -> memref<8x256xf32, #tpu.memory_space<hbm>>
        tpu.wait_dma2 semaphore(%run_scoped3A : memref<!tpu.dma_semaphore, #tpu.memory_space<semaphore_mem>>) src(%arg6 : memref<8x256xf32, #tpu.memory_space<vmem>>) dst(%dma_wait3A_16 : memref<8x256xf32, #tpu.memory_space<hbm>>)
        tpu.yield
      }) : () -> ()
    } else {
    }
    return
  }
}

module attributes {stable_mosaic.version = 14 : i64} {
  func.func @_encoder_kernel(%arg0: i32, %arg1: memref<1x2048x16xf32, #tpu.memory_space<vmem>>, %arg2: memref<16x64xf32, #tpu.memory_space<vmem>>, %arg3: memref<1x64xf32, #tpu.memory_space<vmem>>, %arg4: memref<64x128xf32, #tpu.memory_space<vmem>>, %arg5: memref<1x2xf32, #tpu.memory_space<vmem>>, %arg6: memref<1x18xf32, #tpu.memory_space<vmem>>, %arg7: memref<1x18xf32, #tpu.memory_space<vmem>>, %arg8: memref<18x16xf32, #tpu.memory_space<vmem>>, %arg9: memref<1x16xf32, #tpu.memory_space<vmem>>, %arg10: memref<16x256xf32, #tpu.memory_space<vmem>>, %arg11: memref<1x256xf32, #tpu.memory_space<vmem>>, %arg12: memref<1x2048x256xf32, #tpu.memory_space<vmem>>, %arg13: memref<1x1x2048xf32, #tpu.memory_space<vmem>>, %arg14: memref<1x1x16xi32, #tpu.memory_space<vmem>>) attributes {dimension_semantics = [#tpu.dimension_semantics<parallel>], iteration_bounds = array<i64: 4>, scalar_prefetch = 0 : i64, scratch_operands = 0 : i64, tpu.core_type = #tpu.core_type<tc>, window_params = [{transform_indices = @transform_0, window_bounds = array<i64: 1, 2048, 16>}, {pipeline_mode = #tpu.pipeline_mode<synchronous>, transform_indices = @transform_1, window_bounds = array<i64: 16, 64>}, {pipeline_mode = #tpu.pipeline_mode<synchronous>, transform_indices = @transform_2, window_bounds = array<i64: 1, 64>}, {pipeline_mode = #tpu.pipeline_mode<synchronous>, transform_indices = @transform_3, window_bounds = array<i64: 64, 128>}, {pipeline_mode = #tpu.pipeline_mode<synchronous>, transform_indices = @transform_4, window_bounds = array<i64: 1, 2>}, {pipeline_mode = #tpu.pipeline_mode<synchronous>, transform_indices = @transform_5, window_bounds = array<i64: 1, 18>}, {pipeline_mode = #tpu.pipeline_mode<synchronous>, transform_indices = @transform_6, window_bounds = array<i64: 1, 18>}, {pipeline_mode = #tpu.pipeline_mode<synchronous>, transform_indices = @transform_7, window_bounds = array<i64: 18, 16>}, {pipeline_mode = #tpu.pipeline_mode<synchronous>, transform_indices = @transform_8, window_bounds = array<i64: 1, 16>}, {pipeline_mode = #tpu.pipeline_mode<synchronous>, transform_indices = @transform_9, window_bounds = array<i64: 16, 256>}, {pipeline_mode = #tpu.pipeline_mode<synchronous>, transform_indices = @transform_10, window_bounds = array<i64: 1, 256>}, {transform_indices = @transform_11, window_bounds = array<i64: 1, 2048, 256>}, {transform_indices = @transform_12, window_bounds = array<i64: 1, 1, 2048>}, {transform_indices = @transform_13, window_bounds = array<i64: 1, 1, 16>}]} {
    %get3A = arith.constant 0 : index
    %get3A_0 = arith.constant 0 : index
    %get3A_1 = arith.constant 0 : index
    %get3A_2 = vector.load %arg1[%get3A, %get3A_0, %get3A_1] : memref<1x2048x16xf32, #tpu.memory_space<vmem>>, vector<1x2048x16xf32>
    %get3A_3 = vector.shape_cast %get3A_2 : vector<1x2048x16xf32> to vector<2048x16xf32>
    %get3A_4 = arith.constant 0 : index
    %get3A_5 = arith.constant 0 : index
    %get3A_6 = vector.load %arg2[%get3A_4, %get3A_5] : memref<16x64xf32, #tpu.memory_space<vmem>>, vector<16x64xf32>
    %dot_general3A = arith.constant dense<0.000000e+00> : vector<2048x64xf32>
    %dot_general3A_7 = tpu.matmul %get3A_3, %get3A_6, %dot_general3A {dimension_numbers = #tpu.dot_dimension_numbers<[1], [0], [0], [1], [0, 0, 1, 1], [], []>, transpose_lhs_hint = false} : vector<2048x16xf32>, vector<16x64xf32>, vector<2048x64xf32> -> vector<2048x64xf32>
    %get3A_8 = arith.constant 0 : index
    %get3A_9 = arith.constant 0 : index
    %get3A_10 = vector.load %arg3[%get3A_8, %get3A_9] : memref<1x64xf32, #tpu.memory_space<vmem>>, vector<1x64xf32>
    %get3A_11 = vector.shape_cast %get3A_10 : vector<1x64xf32> to vector<64xf32>
    %broadcast_in_dim3A = vector.shape_cast %get3A_11 : vector<64xf32> to vector<1x64xf32>
    %add3A = vector.broadcast %broadcast_in_dim3A : vector<1x64xf32> to vector<2048x64xf32>
    %add3A_12 = arith.addf %dot_general3A_7, %add3A : vector<2048x64xf32>
    %max3A = arith.constant 0.000000e+00 : f32
    %max3A_13 = vector.broadcast %max3A : f32 to vector<2048x64xf32>
    %max3A_14 = arith.maximumf %add3A_12, %max3A_13 : vector<2048x64xf32>
    %get3A_15 = arith.constant 0 : index
    %get3A_16 = arith.constant 1 : index
    %get3A_17 = vector.load %arg5[%get3A_15, %get3A_16] : memref<1x2xf32, #tpu.memory_space<vmem>>, vector<1x1xf32>
    %get3A_18 = vector.extract %get3A_17[0, 0] : f32 from vector<1x1xf32>
    %get3A_19 = arith.constant 0 : index
    %get3A_20 = arith.constant 0 : index
    %get3A_21 = vector.load %arg4[%get3A_19, %get3A_20] : memref<64x128xf32, #tpu.memory_space<vmem>>, vector<64x128xf32>
    %dot_general3A_22 = arith.constant dense<0.000000e+00> : vector<2048x128xf32>
    %dot_general3A_23 = tpu.matmul %max3A_14, %get3A_21, %dot_general3A_22 {dimension_numbers = #tpu.dot_dimension_numbers<[1], [0], [0], [1], [0, 0, 1, 1], [], []>, transpose_lhs_hint = false} : vector<2048x64xf32>, vector<64x128xf32>, vector<2048x128xf32> -> vector<2048x128xf32>
    %add3A_24 = vector.broadcast %get3A_18 : f32 to vector<2048x128xf32>
    %add3A_25 = arith.addf %dot_general3A_23, %add3A_24 : vector<2048x128xf32>
    %slice3A = vector.extract_strided_slice %add3A_25 {offsets = [0, 0], sizes = [2048, 1], strides = [1, 1]} : vector<2048x128xf32> to vector<2048x1xf32>
    %squeeze3A = vector.shape_cast %slice3A : vector<2048x1xf32> to vector<2048xf32>
    %mul3A = arith.mulf %get3A_3, %get3A_3 : vector<2048x16xf32>
    %reduce_sum3A = arith.constant dense<0.000000e+00> : vector<2048xf32>
    %reduce_sum3A_26 = vector.multi_reduction <add>, %mul3A, %reduce_sum3A [1] : vector<2048x16xf32> to vector<2048xf32>
    %broadcast_in_dim3A_27 = vector.shape_cast %reduce_sum3A_26 : vector<2048xf32> to vector<2048x1xf32>
    %reshape3A = vector.shape_cast %broadcast_in_dim3A_27 : vector<2048x1xf32> to vector<1x2048xf32>
    %iota3A = tpu.iota {dimensions = array<i32: 1>} : vector<512x2048xi32>
    %iota3A_28 = tpu.iota {dimensions = array<i32: 0>} : vector<512x2048xi32>
    %sub3A = arith.subi %iota3A, %iota3A_28 : vector<512x2048xi32>
    %slice3A_29 = vector.extract_strided_slice %get3A_3 {offsets = [0, 0], sizes = [512, 16], strides = [1, 1]} : vector<2048x16xf32> to vector<512x16xf32>
    %dot_general3A_30 = arith.constant dense<0.000000e+00> : vector<512x2048xf32>
    %dot_general3A_31 = tpu.matmul %slice3A_29, %get3A_3, %dot_general3A_30 {dimension_numbers = #tpu.dot_dimension_numbers<[1], [1], [0], [0], [0, 0, 1, 0], [], []>, transpose_lhs_hint = false} : vector<512x16xf32>, vector<2048x16xf32>, vector<512x2048xf32> -> vector<512x2048xf32>
    %slice3A_32 = vector.extract_strided_slice %broadcast_in_dim3A_27 {offsets = [0, 0], sizes = [512, 1], strides = [1, 1]} : vector<2048x1xf32> to vector<512x1xf32>
    %add3A_33 = vector.broadcast %slice3A_32 : vector<512x1xf32> to vector<512x2048xf32>
    %add3A_34 = vector.broadcast %reshape3A : vector<1x2048xf32> to vector<512x2048xf32>
    %add3A_35 = arith.addf %add3A_33, %add3A_34 : vector<512x2048xf32>
    %mul3A_36 = arith.constant 2.000000e+00 : f32
    %mul3A_37 = vector.broadcast %mul3A_36 : f32 to vector<512x2048xf32>
    %mul3A_38 = arith.mulf %mul3A_37, %dot_general3A_31 : vector<512x2048xf32>
    %sub3A_39 = arith.subf %add3A_35, %mul3A_38 : vector<512x2048xf32>
    %slice3A_40 = vector.extract_strided_slice %sub3A_39 {offsets = [0, 0], sizes = [512, 128], strides = [1, 1]} : vector<512x2048xf32> to vector<512x128xf32>
    %slice3A_41 = vector.extract_strided_slice %sub3A {offsets = [0, 0], sizes = [512, 128], strides = [1, 1]} : vector<512x2048xi32> to vector<512x128xi32>
    %eq3A = arith.constant 0 : i32
    %eq3A_42 = vector.broadcast %eq3A : i32 to vector<512x128xi32>
    %eq3A_43 = arith.cmpi eq, %slice3A_41, %eq3A_42 : vector<512x128xi32>
    %jit3A = arith.constant 1.000000e+09 : f32
    %broadcast_in_dim3A_44 = vector.broadcast %jit3A : f32 to vector<512x128xf32>
    %select_n3A = arith.select %eq3A_43, %broadcast_in_dim3A_44, %slice3A_40 : vector<512x128xi1>, vector<512x128xf32>
    %slice3A_45 = vector.extract_strided_slice %sub3A_39 {offsets = [0, 128], sizes = [512, 128], strides = [1, 1]} : vector<512x2048xf32> to vector<512x128xf32>
    %slice3A_46 = vector.extract_strided_slice %sub3A {offsets = [0, 128], sizes = [512, 128], strides = [1, 1]} : vector<512x2048xi32> to vector<512x128xi32>
    %eq3A_47 = arith.constant 0 : i32
    %eq3A_48 = vector.broadcast %eq3A_47 : i32 to vector<512x128xi32>
    %eq3A_49 = arith.cmpi eq, %slice3A_46, %eq3A_48 : vector<512x128xi32>
    %jit3A_50 = arith.constant 1.000000e+09 : f32
    %broadcast_in_dim3A_51 = vector.broadcast %jit3A_50 : f32 to vector<512x128xf32>
    %select_n3A_52 = arith.select %eq3A_49, %broadcast_in_dim3A_51, %slice3A_45 : vector<512x128xi1>, vector<512x128xf32>
    %min3A = arith.minimumf %select_n3A, %select_n3A_52 : vector<512x128xf32>
    %slice3A_53 = vector.extract_strided_slice %sub3A_39 {offsets = [0, 256], sizes = [512, 128], strides = [1, 1]} : vector<512x2048xf32> to vector<512x128xf32>
    %slice3A_54 = vector.extract_strided_slice %sub3A {offsets = [0, 256], sizes = [512, 128], strides = [1, 1]} : vector<512x2048xi32> to vector<512x128xi32>
    %eq3A_55 = arith.constant 0 : i32
    %eq3A_56 = vector.broadcast %eq3A_55 : i32 to vector<512x128xi32>
    %eq3A_57 = arith.cmpi eq, %slice3A_54, %eq3A_56 : vector<512x128xi32>
    %jit3A_58 = arith.constant 1.000000e+09 : f32
    %broadcast_in_dim3A_59 = vector.broadcast %jit3A_58 : f32 to vector<512x128xf32>
    %select_n3A_60 = arith.select %eq3A_57, %broadcast_in_dim3A_59, %slice3A_53 : vector<512x128xi1>, vector<512x128xf32>
    %min3A_61 = arith.minimumf %min3A, %select_n3A_60 : vector<512x128xf32>
    %slice3A_62 = vector.extract_strided_slice %sub3A_39 {offsets = [0, 384], sizes = [512, 128], strides = [1, 1]} : vector<512x2048xf32> to vector<512x128xf32>
    %slice3A_63 = vector.extract_strided_slice %sub3A {offsets = [0, 384], sizes = [512, 128], strides = [1, 1]} : vector<512x2048xi32> to vector<512x128xi32>
    %eq3A_64 = arith.constant 0 : i32
    %eq3A_65 = vector.broadcast %eq3A_64 : i32 to vector<512x128xi32>
    %eq3A_66 = arith.cmpi eq, %slice3A_63, %eq3A_65 : vector<512x128xi32>
    %jit3A_67 = arith.constant 1.000000e+09 : f32
    %broadcast_in_dim3A_68 = vector.broadcast %jit3A_67 : f32 to vector<512x128xf32>
    %select_n3A_69 = arith.select %eq3A_66, %broadcast_in_dim3A_68, %slice3A_62 : vector<512x128xi1>, vector<512x128xf32>
    %min3A_70 = arith.minimumf %min3A_61, %select_n3A_69 : vector<512x128xf32>
    %slice3A_71 = vector.extract_strided_slice %sub3A_39 {offsets = [0, 512], sizes = [512, 128], strides = [1, 1]} : vector<512x2048xf32> to vector<512x128xf32>
    %min3A_72 = arith.minimumf %min3A_70, %slice3A_71 : vector<512x128xf32>
    %slice3A_73 = vector.extract_strided_slice %sub3A_39 {offsets = [0, 640], sizes = [512, 128], strides = [1, 1]} : vector<512x2048xf32> to vector<512x128xf32>
    %min3A_74 = arith.minimumf %min3A_72, %slice3A_73 : vector<512x128xf32>
    %slice3A_75 = vector.extract_strided_slice %sub3A_39 {offsets = [0, 768], sizes = [512, 128], strides = [1, 1]} : vector<512x2048xf32> to vector<512x128xf32>
    %min3A_76 = arith.minimumf %min3A_74, %slice3A_75 : vector<512x128xf32>
    %slice3A_77 = vector.extract_strided_slice %sub3A_39 {offsets = [0, 896], sizes = [512, 128], strides = [1, 1]} : vector<512x2048xf32> to vector<512x128xf32>
    %min3A_78 = arith.minimumf %min3A_76, %slice3A_77 : vector<512x128xf32>
    %slice3A_79 = vector.extract_strided_slice %sub3A_39 {offsets = [0, 1024], sizes = [512, 128], strides = [1, 1]} : vector<512x2048xf32> to vector<512x128xf32>
    %min3A_80 = arith.minimumf %min3A_78, %slice3A_79 : vector<512x128xf32>
    %slice3A_81 = vector.extract_strided_slice %sub3A_39 {offsets = [0, 1152], sizes = [512, 128], strides = [1, 1]} : vector<512x2048xf32> to vector<512x128xf32>
    %min3A_82 = arith.minimumf %min3A_80, %slice3A_81 : vector<512x128xf32>
    %slice3A_83 = vector.extract_strided_slice %sub3A_39 {offsets = [0, 1280], sizes = [512, 128], strides = [1, 1]} : vector<512x2048xf32> to vector<512x128xf32>
    %min3A_84 = arith.minimumf %min3A_82, %slice3A_83 : vector<512x128xf32>
    %slice3A_85 = vector.extract_strided_slice %sub3A_39 {offsets = [0, 1408], sizes = [512, 128], strides = [1, 1]} : vector<512x2048xf32> to vector<512x128xf32>
    %min3A_86 = arith.minimumf %min3A_84, %slice3A_85 : vector<512x128xf32>
    %slice3A_87 = vector.extract_strided_slice %sub3A_39 {offsets = [0, 1536], sizes = [512, 128], strides = [1, 1]} : vector<512x2048xf32> to vector<512x128xf32>
    %min3A_88 = arith.minimumf %min3A_86, %slice3A_87 : vector<512x128xf32>
    %slice3A_89 = vector.extract_strided_slice %sub3A_39 {offsets = [0, 1664], sizes = [512, 128], strides = [1, 1]} : vector<512x2048xf32> to vector<512x128xf32>
    %min3A_90 = arith.minimumf %min3A_88, %slice3A_89 : vector<512x128xf32>
    %slice3A_91 = vector.extract_strided_slice %sub3A_39 {offsets = [0, 1792], sizes = [512, 128], strides = [1, 1]} : vector<512x2048xf32> to vector<512x128xf32>
    %min3A_92 = arith.minimumf %min3A_90, %slice3A_91 : vector<512x128xf32>
    %slice3A_93 = vector.extract_strided_slice %sub3A_39 {offsets = [0, 1920], sizes = [512, 128], strides = [1, 1]} : vector<512x2048xf32> to vector<512x128xf32>
    %min3A_94 = arith.minimumf %min3A_92, %slice3A_93 : vector<512x128xf32>
    %reduce_min3A = arith.constant dense<0x7F800000> : vector<512xf32>
    %reduce_min3A_95 = vector.multi_reduction <minimumf>, %min3A_94, %reduce_min3A [1] : vector<512x128xf32> to vector<512xf32>
    %slice3A_96 = vector.extract_strided_slice %get3A_3 {offsets = [512, 0], sizes = [512, 16], strides = [1, 1]} : vector<2048x16xf32> to vector<512x16xf32>
    %dot_general3A_97 = arith.constant dense<0.000000e+00> : vector<512x2048xf32>
    %dot_general3A_98 = tpu.matmul %slice3A_96, %get3A_3, %dot_general3A_97 {dimension_numbers = #tpu.dot_dimension_numbers<[1], [1], [0], [0], [0, 0, 1, 0], [], []>, transpose_lhs_hint = false} : vector<512x16xf32>, vector<2048x16xf32>, vector<512x2048xf32> -> vector<512x2048xf32>
    %slice3A_99 = vector.extract_strided_slice %broadcast_in_dim3A_27 {offsets = [512, 0], sizes = [512, 1], strides = [1, 1]} : vector<2048x1xf32> to vector<512x1xf32>
    %add3A_100 = vector.broadcast %slice3A_99 : vector<512x1xf32> to vector<512x2048xf32>
    %add3A_101 = vector.broadcast %reshape3A : vector<1x2048xf32> to vector<512x2048xf32>
    %add3A_102 = arith.addf %add3A_100, %add3A_101 : vector<512x2048xf32>
    %mul3A_103 = arith.constant 2.000000e+00 : f32
    %mul3A_104 = vector.broadcast %mul3A_103 : f32 to vector<512x2048xf32>
    %mul3A_105 = arith.mulf %mul3A_104, %dot_general3A_98 : vector<512x2048xf32>
    %sub3A_106 = arith.subf %add3A_102, %mul3A_105 : vector<512x2048xf32>
    %slice3A_107 = vector.extract_strided_slice %sub3A_106 {offsets = [0, 0], sizes = [512, 128], strides = [1, 1]} : vector<512x2048xf32> to vector<512x128xf32>
    %slice3A_108 = vector.extract_strided_slice %sub3A_106 {offsets = [0, 128], sizes = [512, 128], strides = [1, 1]} : vector<512x2048xf32> to vector<512x128xf32>
    %min3A_109 = arith.minimumf %slice3A_107, %slice3A_108 : vector<512x128xf32>
    %slice3A_110 = vector.extract_strided_slice %sub3A_106 {offsets = [0, 256], sizes = [512, 128], strides = [1, 1]} : vector<512x2048xf32> to vector<512x128xf32>
    %min3A_111 = arith.minimumf %min3A_109, %slice3A_110 : vector<512x128xf32>
    %slice3A_112 = vector.extract_strided_slice %sub3A_106 {offsets = [0, 384], sizes = [512, 128], strides = [1, 1]} : vector<512x2048xf32> to vector<512x128xf32>
    %min3A_113 = arith.minimumf %min3A_111, %slice3A_112 : vector<512x128xf32>
    %slice3A_114 = vector.extract_strided_slice %sub3A_106 {offsets = [0, 512], sizes = [512, 128], strides = [1, 1]} : vector<512x2048xf32> to vector<512x128xf32>
    %slice3A_115 = vector.extract_strided_slice %sub3A {offsets = [0, 512], sizes = [512, 128], strides = [1, 1]} : vector<512x2048xi32> to vector<512x128xi32>
    %eq3A_116 = arith.constant 512 : i32
    %eq3A_117 = vector.broadcast %eq3A_116 : i32 to vector<512x128xi32>
    %eq3A_118 = arith.cmpi eq, %slice3A_115, %eq3A_117 : vector<512x128xi32>
    %jit3A_119 = arith.constant 1.000000e+09 : f32
    %broadcast_in_dim3A_120 = vector.broadcast %jit3A_119 : f32 to vector<512x128xf32>
    %select_n3A_121 = arith.select %eq3A_118, %broadcast_in_dim3A_120, %slice3A_114 : vector<512x128xi1>, vector<512x128xf32>
    %min3A_122 = arith.minimumf %min3A_113, %select_n3A_121 : vector<512x128xf32>
    %slice3A_123 = vector.extract_strided_slice %sub3A_106 {offsets = [0, 640], sizes = [512, 128], strides = [1, 1]} : vector<512x2048xf32> to vector<512x128xf32>
    %slice3A_124 = vector.extract_strided_slice %sub3A {offsets = [0, 640], sizes = [512, 128], strides = [1, 1]} : vector<512x2048xi32> to vector<512x128xi32>
    %eq3A_125 = arith.constant 512 : i32
    %eq3A_126 = vector.broadcast %eq3A_125 : i32 to vector<512x128xi32>
    %eq3A_127 = arith.cmpi eq, %slice3A_124, %eq3A_126 : vector<512x128xi32>
    %jit3A_128 = arith.constant 1.000000e+09 : f32
    %broadcast_in_dim3A_129 = vector.broadcast %jit3A_128 : f32 to vector<512x128xf32>
    %select_n3A_130 = arith.select %eq3A_127, %broadcast_in_dim3A_129, %slice3A_123 : vector<512x128xi1>, vector<512x128xf32>
    %min3A_131 = arith.minimumf %min3A_122, %select_n3A_130 : vector<512x128xf32>
    %slice3A_132 = vector.extract_strided_slice %sub3A_106 {offsets = [0, 768], sizes = [512, 128], strides = [1, 1]} : vector<512x2048xf32> to vector<512x128xf32>
    %slice3A_133 = vector.extract_strided_slice %sub3A {offsets = [0, 768], sizes = [512, 128], strides = [1, 1]} : vector<512x2048xi32> to vector<512x128xi32>
    %eq3A_134 = arith.constant 512 : i32
    %eq3A_135 = vector.broadcast %eq3A_134 : i32 to vector<512x128xi32>
    %eq3A_136 = arith.cmpi eq, %slice3A_133, %eq3A_135 : vector<512x128xi32>
    %jit3A_137 = arith.constant 1.000000e+09 : f32
    %broadcast_in_dim3A_138 = vector.broadcast %jit3A_137 : f32 to vector<512x128xf32>
    %select_n3A_139 = arith.select %eq3A_136, %broadcast_in_dim3A_138, %slice3A_132 : vector<512x128xi1>, vector<512x128xf32>
    %min3A_140 = arith.minimumf %min3A_131, %select_n3A_139 : vector<512x128xf32>
    %slice3A_141 = vector.extract_strided_slice %sub3A_106 {offsets = [0, 896], sizes = [512, 128], strides = [1, 1]} : vector<512x2048xf32> to vector<512x128xf32>
    %slice3A_142 = vector.extract_strided_slice %sub3A {offsets = [0, 896], sizes = [512, 128], strides = [1, 1]} : vector<512x2048xi32> to vector<512x128xi32>
    %eq3A_143 = arith.constant 512 : i32
    %eq3A_144 = vector.broadcast %eq3A_143 : i32 to vector<512x128xi32>
    %eq3A_145 = arith.cmpi eq, %slice3A_142, %eq3A_144 : vector<512x128xi32>
    %jit3A_146 = arith.constant 1.000000e+09 : f32
    %broadcast_in_dim3A_147 = vector.broadcast %jit3A_146 : f32 to vector<512x128xf32>
    %select_n3A_148 = arith.select %eq3A_145, %broadcast_in_dim3A_147, %slice3A_141 : vector<512x128xi1>, vector<512x128xf32>
    %min3A_149 = arith.minimumf %min3A_140, %select_n3A_148 : vector<512x128xf32>
    %slice3A_150 = vector.extract_strided_slice %sub3A_106 {offsets = [0, 1024], sizes = [512, 128], strides = [1, 1]} : vector<512x2048xf32> to vector<512x128xf32>
    %min3A_151 = arith.minimumf %min3A_149, %slice3A_150 : vector<512x128xf32>
    %slice3A_152 = vector.extract_strided_slice %sub3A_106 {offsets = [0, 1152], sizes = [512, 128], strides = [1, 1]} : vector<512x2048xf32> to vector<512x128xf32>
    %min3A_153 = arith.minimumf %min3A_151, %slice3A_152 : vector<512x128xf32>
    %slice3A_154 = vector.extract_strided_slice %sub3A_106 {offsets = [0, 1280], sizes = [512, 128], strides = [1, 1]} : vector<512x2048xf32> to vector<512x128xf32>
    %min3A_155 = arith.minimumf %min3A_153, %slice3A_154 : vector<512x128xf32>
    %slice3A_156 = vector.extract_strided_slice %sub3A_106 {offsets = [0, 1408], sizes = [512, 128], strides = [1, 1]} : vector<512x2048xf32> to vector<512x128xf32>
    %min3A_157 = arith.minimumf %min3A_155, %slice3A_156 : vector<512x128xf32>
    %slice3A_158 = vector.extract_strided_slice %sub3A_106 {offsets = [0, 1536], sizes = [512, 128], strides = [1, 1]} : vector<512x2048xf32> to vector<512x128xf32>
    %min3A_159 = arith.minimumf %min3A_157, %slice3A_158 : vector<512x128xf32>
    %slice3A_160 = vector.extract_strided_slice %sub3A_106 {offsets = [0, 1664], sizes = [512, 128], strides = [1, 1]} : vector<512x2048xf32> to vector<512x128xf32>
    %min3A_161 = arith.minimumf %min3A_159, %slice3A_160 : vector<512x128xf32>
    %slice3A_162 = vector.extract_strided_slice %sub3A_106 {offsets = [0, 1792], sizes = [512, 128], strides = [1, 1]} : vector<512x2048xf32> to vector<512x128xf32>
    %min3A_163 = arith.minimumf %min3A_161, %slice3A_162 : vector<512x128xf32>
    %slice3A_164 = vector.extract_strided_slice %sub3A_106 {offsets = [0, 1920], sizes = [512, 128], strides = [1, 1]} : vector<512x2048xf32> to vector<512x128xf32>
    %min3A_165 = arith.minimumf %min3A_163, %slice3A_164 : vector<512x128xf32>
    %reduce_min3A_166 = arith.constant dense<0x7F800000> : vector<512xf32>
    %reduce_min3A_167 = vector.multi_reduction <minimumf>, %min3A_165, %reduce_min3A_166 [1] : vector<512x128xf32> to vector<512xf32>
    %slice3A_168 = vector.extract_strided_slice %get3A_3 {offsets = [1024, 0], sizes = [512, 16], strides = [1, 1]} : vector<2048x16xf32> to vector<512x16xf32>
    %dot_general3A_169 = arith.constant dense<0.000000e+00> : vector<512x2048xf32>
    %dot_general3A_170 = tpu.matmul %slice3A_168, %get3A_3, %dot_general3A_169 {dimension_numbers = #tpu.dot_dimension_numbers<[1], [1], [0], [0], [0, 0, 1, 0], [], []>, transpose_lhs_hint = false} : vector<512x16xf32>, vector<2048x16xf32>, vector<512x2048xf32> -> vector<512x2048xf32>
    %slice3A_171 = vector.extract_strided_slice %broadcast_in_dim3A_27 {offsets = [1024, 0], sizes = [512, 1], strides = [1, 1]} : vector<2048x1xf32> to vector<512x1xf32>
    %add3A_172 = vector.broadcast %slice3A_171 : vector<512x1xf32> to vector<512x2048xf32>
    %add3A_173 = vector.broadcast %reshape3A : vector<1x2048xf32> to vector<512x2048xf32>
    %add3A_174 = arith.addf %add3A_172, %add3A_173 : vector<512x2048xf32>
    %mul3A_175 = arith.constant 2.000000e+00 : f32
    %mul3A_176 = vector.broadcast %mul3A_175 : f32 to vector<512x2048xf32>
    %mul3A_177 = arith.mulf %mul3A_176, %dot_general3A_170 : vector<512x2048xf32>
    %sub3A_178 = arith.subf %add3A_174, %mul3A_177 : vector<512x2048xf32>
    %slice3A_179 = vector.extract_strided_slice %sub3A_178 {offsets = [0, 0], sizes = [512, 128], strides = [1, 1]} : vector<512x2048xf32> to vector<512x128xf32>
    %slice3A_180 = vector.extract_strided_slice %sub3A_178 {offsets = [0, 128], sizes = [512, 128], strides = [1, 1]} : vector<512x2048xf32> to vector<512x128xf32>
    %min3A_181 = arith.minimumf %slice3A_179, %slice3A_180 : vector<512x128xf32>
    %slice3A_182 = vector.extract_strided_slice %sub3A_178 {offsets = [0, 256], sizes = [512, 128], strides = [1, 1]} : vector<512x2048xf32> to vector<512x128xf32>
    %min3A_183 = arith.minimumf %min3A_181, %slice3A_182 : vector<512x128xf32>
    %slice3A_184 = vector.extract_strided_slice %sub3A_178 {offsets = [0, 384], sizes = [512, 128], strides = [1, 1]} : vector<512x2048xf32> to vector<512x128xf32>
    %min3A_185 = arith.minimumf %min3A_183, %slice3A_184 : vector<512x128xf32>
    %slice3A_186 = vector.extract_strided_slice %sub3A_178 {offsets = [0, 512], sizes = [512, 128], strides = [1, 1]} : vector<512x2048xf32> to vector<512x128xf32>
    %min3A_187 = arith.minimumf %min3A_185, %slice3A_186 : vector<512x128xf32>
    %slice3A_188 = vector.extract_strided_slice %sub3A_178 {offsets = [0, 640], sizes = [512, 128], strides = [1, 1]} : vector<512x2048xf32> to vector<512x128xf32>
    %min3A_189 = arith.minimumf %min3A_187, %slice3A_188 : vector<512x128xf32>
    %slice3A_190 = vector.extract_strided_slice %sub3A_178 {offsets = [0, 768], sizes = [512, 128], strides = [1, 1]} : vector<512x2048xf32> to vector<512x128xf32>
    %min3A_191 = arith.minimumf %min3A_189, %slice3A_190 : vector<512x128xf32>
    %slice3A_192 = vector.extract_strided_slice %sub3A_178 {offsets = [0, 896], sizes = [512, 128], strides = [1, 1]} : vector<512x2048xf32> to vector<512x128xf32>
    %min3A_193 = arith.minimumf %min3A_191, %slice3A_192 : vector<512x128xf32>
    %slice3A_194 = vector.extract_strided_slice %sub3A_178 {offsets = [0, 1024], sizes = [512, 128], strides = [1, 1]} : vector<512x2048xf32> to vector<512x128xf32>
    %slice3A_195 = vector.extract_strided_slice %sub3A {offsets = [0, 1024], sizes = [512, 128], strides = [1, 1]} : vector<512x2048xi32> to vector<512x128xi32>
    %eq3A_196 = arith.constant 1024 : i32
    %eq3A_197 = vector.broadcast %eq3A_196 : i32 to vector<512x128xi32>
    %eq3A_198 = arith.cmpi eq, %slice3A_195, %eq3A_197 : vector<512x128xi32>
    %jit3A_199 = arith.constant 1.000000e+09 : f32
    %broadcast_in_dim3A_200 = vector.broadcast %jit3A_199 : f32 to vector<512x128xf32>
    %select_n3A_201 = arith.select %eq3A_198, %broadcast_in_dim3A_200, %slice3A_194 : vector<512x128xi1>, vector<512x128xf32>
    %min3A_202 = arith.minimumf %min3A_193, %select_n3A_201 : vector<512x128xf32>
    %slice3A_203 = vector.extract_strided_slice %sub3A_178 {offsets = [0, 1152], sizes = [512, 128], strides = [1, 1]} : vector<512x2048xf32> to vector<512x128xf32>
    %slice3A_204 = vector.extract_strided_slice %sub3A {offsets = [0, 1152], sizes = [512, 128], strides = [1, 1]} : vector<512x2048xi32> to vector<512x128xi32>
    %eq3A_205 = arith.constant 1024 : i32
    %eq3A_206 = vector.broadcast %eq3A_205 : i32 to vector<512x128xi32>
    %eq3A_207 = arith.cmpi eq, %slice3A_204, %eq3A_206 : vector<512x128xi32>
    %jit3A_208 = arith.constant 1.000000e+09 : f32
    %broadcast_in_dim3A_209 = vector.broadcast %jit3A_208 : f32 to vector<512x128xf32>
    %select_n3A_210 = arith.select %eq3A_207, %broadcast_in_dim3A_209, %slice3A_203 : vector<512x128xi1>, vector<512x128xf32>
    %min3A_211 = arith.minimumf %min3A_202, %select_n3A_210 : vector<512x128xf32>
    %slice3A_212 = vector.extract_strided_slice %sub3A_178 {offsets = [0, 1280], sizes = [512, 128], strides = [1, 1]} : vector<512x2048xf32> to vector<512x128xf32>
    %slice3A_213 = vector.extract_strided_slice %sub3A {offsets = [0, 1280], sizes = [512, 128], strides = [1, 1]} : vector<512x2048xi32> to vector<512x128xi32>
    %eq3A_214 = arith.constant 1024 : i32
    %eq3A_215 = vector.broadcast %eq3A_214 : i32 to vector<512x128xi32>
    %eq3A_216 = arith.cmpi eq, %slice3A_213, %eq3A_215 : vector<512x128xi32>
    %jit3A_217 = arith.constant 1.000000e+09 : f32
    %broadcast_in_dim3A_218 = vector.broadcast %jit3A_217 : f32 to vector<512x128xf32>
    %select_n3A_219 = arith.select %eq3A_216, %broadcast_in_dim3A_218, %slice3A_212 : vector<512x128xi1>, vector<512x128xf32>
    %min3A_220 = arith.minimumf %min3A_211, %select_n3A_219 : vector<512x128xf32>
    %slice3A_221 = vector.extract_strided_slice %sub3A_178 {offsets = [0, 1408], sizes = [512, 128], strides = [1, 1]} : vector<512x2048xf32> to vector<512x128xf32>
    %slice3A_222 = vector.extract_strided_slice %sub3A {offsets = [0, 1408], sizes = [512, 128], strides = [1, 1]} : vector<512x2048xi32> to vector<512x128xi32>
    %eq3A_223 = arith.constant 1024 : i32
    %eq3A_224 = vector.broadcast %eq3A_223 : i32 to vector<512x128xi32>
    %eq3A_225 = arith.cmpi eq, %slice3A_222, %eq3A_224 : vector<512x128xi32>
    %jit3A_226 = arith.constant 1.000000e+09 : f32
    %broadcast_in_dim3A_227 = vector.broadcast %jit3A_226 : f32 to vector<512x128xf32>
    %select_n3A_228 = arith.select %eq3A_225, %broadcast_in_dim3A_227, %slice3A_221 : vector<512x128xi1>, vector<512x128xf32>
    %min3A_229 = arith.minimumf %min3A_220, %select_n3A_228 : vector<512x128xf32>
    %slice3A_230 = vector.extract_strided_slice %sub3A_178 {offsets = [0, 1536], sizes = [512, 128], strides = [1, 1]} : vector<512x2048xf32> to vector<512x128xf32>
    %min3A_231 = arith.minimumf %min3A_229, %slice3A_230 : vector<512x128xf32>
    %slice3A_232 = vector.extract_strided_slice %sub3A_178 {offsets = [0, 1664], sizes = [512, 128], strides = [1, 1]} : vector<512x2048xf32> to vector<512x128xf32>
    %min3A_233 = arith.minimumf %min3A_231, %slice3A_232 : vector<512x128xf32>
    %slice3A_234 = vector.extract_strided_slice %sub3A_178 {offsets = [0, 1792], sizes = [512, 128], strides = [1, 1]} : vector<512x2048xf32> to vector<512x128xf32>
    %min3A_235 = arith.minimumf %min3A_233, %slice3A_234 : vector<512x128xf32>
    %slice3A_236 = vector.extract_strided_slice %sub3A_178 {offsets = [0, 1920], sizes = [512, 128], strides = [1, 1]} : vector<512x2048xf32> to vector<512x128xf32>
    %min3A_237 = arith.minimumf %min3A_235, %slice3A_236 : vector<512x128xf32>
    %reduce_min3A_238 = arith.constant dense<0x7F800000> : vector<512xf32>
    %reduce_min3A_239 = vector.multi_reduction <minimumf>, %min3A_237, %reduce_min3A_238 [1] : vector<512x128xf32> to vector<512xf32>
    %slice3A_240 = vector.extract_strided_slice %get3A_3 {offsets = [1536, 0], sizes = [512, 16], strides = [1, 1]} : vector<2048x16xf32> to vector<512x16xf32>
    %dot_general3A_241 = arith.constant dense<0.000000e+00> : vector<512x2048xf32>
    %dot_general3A_242 = tpu.matmul %slice3A_240, %get3A_3, %dot_general3A_241 {dimension_numbers = #tpu.dot_dimension_numbers<[1], [1], [0], [0], [0, 0, 1, 0], [], []>, transpose_lhs_hint = false} : vector<512x16xf32>, vector<2048x16xf32>, vector<512x2048xf32> -> vector<512x2048xf32>
    %slice3A_243 = vector.extract_strided_slice %broadcast_in_dim3A_27 {offsets = [1536, 0], sizes = [512, 1], strides = [1, 1]} : vector<2048x1xf32> to vector<512x1xf32>
    %add3A_244 = vector.broadcast %slice3A_243 : vector<512x1xf32> to vector<512x2048xf32>
    %add3A_245 = vector.broadcast %reshape3A : vector<1x2048xf32> to vector<512x2048xf32>
    %add3A_246 = arith.addf %add3A_244, %add3A_245 : vector<512x2048xf32>
    %mul3A_247 = arith.constant 2.000000e+00 : f32
    %mul3A_248 = vector.broadcast %mul3A_247 : f32 to vector<512x2048xf32>
    %mul3A_249 = arith.mulf %mul3A_248, %dot_general3A_242 : vector<512x2048xf32>
    %sub3A_250 = arith.subf %add3A_246, %mul3A_249 : vector<512x2048xf32>
    %slice3A_251 = vector.extract_strided_slice %sub3A_250 {offsets = [0, 0], sizes = [512, 128], strides = [1, 1]} : vector<512x2048xf32> to vector<512x128xf32>
    %slice3A_252 = vector.extract_strided_slice %sub3A_250 {offsets = [0, 128], sizes = [512, 128], strides = [1, 1]} : vector<512x2048xf32> to vector<512x128xf32>
    %min3A_253 = arith.minimumf %slice3A_251, %slice3A_252 : vector<512x128xf32>
    %slice3A_254 = vector.extract_strided_slice %sub3A_250 {offsets = [0, 256], sizes = [512, 128], strides = [1, 1]} : vector<512x2048xf32> to vector<512x128xf32>
    %min3A_255 = arith.minimumf %min3A_253, %slice3A_254 : vector<512x128xf32>
    %slice3A_256 = vector.extract_strided_slice %sub3A_250 {offsets = [0, 384], sizes = [512, 128], strides = [1, 1]} : vector<512x2048xf32> to vector<512x128xf32>
    %min3A_257 = arith.minimumf %min3A_255, %slice3A_256 : vector<512x128xf32>
    %slice3A_258 = vector.extract_strided_slice %sub3A_250 {offsets = [0, 512], sizes = [512, 128], strides = [1, 1]} : vector<512x2048xf32> to vector<512x128xf32>
    %min3A_259 = arith.minimumf %min3A_257, %slice3A_258 : vector<512x128xf32>
    %slice3A_260 = vector.extract_strided_slice %sub3A_250 {offsets = [0, 640], sizes = [512, 128], strides = [1, 1]} : vector<512x2048xf32> to vector<512x128xf32>
    %min3A_261 = arith.minimumf %min3A_259, %slice3A_260 : vector<512x128xf32>
    %slice3A_262 = vector.extract_strided_slice %sub3A_250 {offsets = [0, 768], sizes = [512, 128], strides = [1, 1]} : vector<512x2048xf32> to vector<512x128xf32>
    %min3A_263 = arith.minimumf %min3A_261, %slice3A_262 : vector<512x128xf32>
    %slice3A_264 = vector.extract_strided_slice %sub3A_250 {offsets = [0, 896], sizes = [512, 128], strides = [1, 1]} : vector<512x2048xf32> to vector<512x128xf32>
    %min3A_265 = arith.minimumf %min3A_263, %slice3A_264 : vector<512x128xf32>
    %slice3A_266 = vector.extract_strided_slice %sub3A_250 {offsets = [0, 1024], sizes = [512, 128], strides = [1, 1]} : vector<512x2048xf32> to vector<512x128xf32>
    %min3A_267 = arith.minimumf %min3A_265, %slice3A_266 : vector<512x128xf32>
    %slice3A_268 = vector.extract_strided_slice %sub3A_250 {offsets = [0, 1152], sizes = [512, 128], strides = [1, 1]} : vector<512x2048xf32> to vector<512x128xf32>
    %min3A_269 = arith.minimumf %min3A_267, %slice3A_268 : vector<512x128xf32>
    %slice3A_270 = vector.extract_strided_slice %sub3A_250 {offsets = [0, 1280], sizes = [512, 128], strides = [1, 1]} : vector<512x2048xf32> to vector<512x128xf32>
    %min3A_271 = arith.minimumf %min3A_269, %slice3A_270 : vector<512x128xf32>
    %slice3A_272 = vector.extract_strided_slice %sub3A_250 {offsets = [0, 1408], sizes = [512, 128], strides = [1, 1]} : vector<512x2048xf32> to vector<512x128xf32>
    %min3A_273 = arith.minimumf %min3A_271, %slice3A_272 : vector<512x128xf32>
    %slice3A_274 = vector.extract_strided_slice %sub3A_250 {offsets = [0, 1536], sizes = [512, 128], strides = [1, 1]} : vector<512x2048xf32> to vector<512x128xf32>
    %slice3A_275 = vector.extract_strided_slice %sub3A {offsets = [0, 1536], sizes = [512, 128], strides = [1, 1]} : vector<512x2048xi32> to vector<512x128xi32>
    %eq3A_276 = arith.constant 1536 : i32
    %eq3A_277 = vector.broadcast %eq3A_276 : i32 to vector<512x128xi32>
    %eq3A_278 = arith.cmpi eq, %slice3A_275, %eq3A_277 : vector<512x128xi32>
    %jit3A_279 = arith.constant 1.000000e+09 : f32
    %broadcast_in_dim3A_280 = vector.broadcast %jit3A_279 : f32 to vector<512x128xf32>
    %select_n3A_281 = arith.select %eq3A_278, %broadcast_in_dim3A_280, %slice3A_274 : vector<512x128xi1>, vector<512x128xf32>
    %min3A_282 = arith.minimumf %min3A_273, %select_n3A_281 : vector<512x128xf32>
    %slice3A_283 = vector.extract_strided_slice %sub3A_250 {offsets = [0, 1664], sizes = [512, 128], strides = [1, 1]} : vector<512x2048xf32> to vector<512x128xf32>
    %slice3A_284 = vector.extract_strided_slice %sub3A {offsets = [0, 1664], sizes = [512, 128], strides = [1, 1]} : vector<512x2048xi32> to vector<512x128xi32>
    %eq3A_285 = arith.constant 1536 : i32
    %eq3A_286 = vector.broadcast %eq3A_285 : i32 to vector<512x128xi32>
    %eq3A_287 = arith.cmpi eq, %slice3A_284, %eq3A_286 : vector<512x128xi32>
    %jit3A_288 = arith.constant 1.000000e+09 : f32
    %broadcast_in_dim3A_289 = vector.broadcast %jit3A_288 : f32 to vector<512x128xf32>
    %select_n3A_290 = arith.select %eq3A_287, %broadcast_in_dim3A_289, %slice3A_283 : vector<512x128xi1>, vector<512x128xf32>
    %min3A_291 = arith.minimumf %min3A_282, %select_n3A_290 : vector<512x128xf32>
    %slice3A_292 = vector.extract_strided_slice %sub3A_250 {offsets = [0, 1792], sizes = [512, 128], strides = [1, 1]} : vector<512x2048xf32> to vector<512x128xf32>
    %slice3A_293 = vector.extract_strided_slice %sub3A {offsets = [0, 1792], sizes = [512, 128], strides = [1, 1]} : vector<512x2048xi32> to vector<512x128xi32>
    %eq3A_294 = arith.constant 1536 : i32
    %eq3A_295 = vector.broadcast %eq3A_294 : i32 to vector<512x128xi32>
    %eq3A_296 = arith.cmpi eq, %slice3A_293, %eq3A_295 : vector<512x128xi32>
    %jit3A_297 = arith.constant 1.000000e+09 : f32
    %broadcast_in_dim3A_298 = vector.broadcast %jit3A_297 : f32 to vector<512x128xf32>
    %select_n3A_299 = arith.select %eq3A_296, %broadcast_in_dim3A_298, %slice3A_292 : vector<512x128xi1>, vector<512x128xf32>
    %min3A_300 = arith.minimumf %min3A_291, %select_n3A_299 : vector<512x128xf32>
    %slice3A_301 = vector.extract_strided_slice %sub3A_250 {offsets = [0, 1920], sizes = [512, 128], strides = [1, 1]} : vector<512x2048xf32> to vector<512x128xf32>
    %slice3A_302 = vector.extract_strided_slice %sub3A {offsets = [0, 1920], sizes = [512, 128], strides = [1, 1]} : vector<512x2048xi32> to vector<512x128xi32>
    %eq3A_303 = arith.constant 1536 : i32
    %eq3A_304 = vector.broadcast %eq3A_303 : i32 to vector<512x128xi32>
    %eq3A_305 = arith.cmpi eq, %slice3A_302, %eq3A_304 : vector<512x128xi32>
    %jit3A_306 = arith.constant 1.000000e+09 : f32
    %broadcast_in_dim3A_307 = vector.broadcast %jit3A_306 : f32 to vector<512x128xf32>
    %select_n3A_308 = arith.select %eq3A_305, %broadcast_in_dim3A_307, %slice3A_301 : vector<512x128xi1>, vector<512x128xf32>
    %min3A_309 = arith.minimumf %min3A_300, %select_n3A_308 : vector<512x128xf32>
    %reduce_min3A_310 = arith.constant dense<0x7F800000> : vector<512xf32>
    %reduce_min3A_311 = vector.multi_reduction <minimumf>, %min3A_309, %reduce_min3A_310 [1] : vector<512x128xf32> to vector<512xf32>
    %concatenate3A = tpu.concatenate %reduce_min3A_95, %reduce_min3A_167, %reduce_min3A_239, %reduce_min3A_311 in 0 : vector<512xf32>, vector<512xf32>, vector<512xf32>, vector<512xf32> -> vector<2048xf32>
    %max3A_312 = arith.constant 0.000000e+00 : f32
    %max3A_313 = vector.broadcast %max3A_312 : f32 to vector<2048xf32>
    %max3A_314 = arith.maximumf %concatenate3A, %max3A_313 : vector<2048xf32>
    %sqrt3A = math.sqrt %max3A_314 : vector<2048xf32>
    %add3A_315 = arith.constant 1.000000e+00 : f32
    %add3A_316 = vector.broadcast %add3A_315 : f32 to vector<2048xf32>
    %add3A_317 = arith.addf %add3A_316, %sqrt3A : vector<2048xf32>
    %div3A = arith.constant 1.000000e+00 : f32
    %div3A_318 = vector.broadcast %div3A : f32 to vector<2048xf32>
    %div3A_319 = arith.divf %div3A_318, %add3A_317 : vector<2048xf32>
    %broadcast_in_dim3A_320 = vector.shape_cast %sqrt3A : vector<2048xf32> to vector<2048x1xf32>
    %broadcast_in_dim3A_321 = vector.shape_cast %div3A_319 : vector<2048xf32> to vector<2048x1xf32>
    %broadcast_in_dim3A_322 = vector.shape_cast %squeeze3A : vector<2048xf32> to vector<2048x1xf32>
    %concatenate3A_323 = tpu.concatenate %get3A_3, %broadcast_in_dim3A_320, %broadcast_in_dim3A_321, %broadcast_in_dim3A_322 in 1 : vector<2048x16xf32>, vector<2048x1xf32>, vector<2048x1xf32>, vector<2048x1xf32> -> vector<2048x19xf32>
    %mul3A_324 = arith.mulf %concatenate3A_323, %concatenate3A_323 : vector<2048x19xf32>
    %reduce_sum3A_325 = arith.constant dense<0.000000e+00> : vector<2048xf32>
    %reduce_sum3A_326 = vector.multi_reduction <add>, %mul3A_324, %reduce_sum3A_325 [1] : vector<2048x19xf32> to vector<2048xf32>
    %sqrt3A_327 = math.sqrt %reduce_sum3A_326 : vector<2048xf32>
    %add3A_328 = arith.constant 9.99999993E-9 : f32
    %add3A_329 = vector.broadcast %add3A_328 : f32 to vector<2048xf32>
    %add3A_330 = arith.addf %sqrt3A_327, %add3A_329 : vector<2048xf32>
    %broadcast_in_dim3A_331 = vector.shape_cast %add3A_330 : vector<2048xf32> to vector<2048x1xf32>
    %div3A_332 = vector.broadcast %broadcast_in_dim3A_331 : vector<2048x1xf32> to vector<2048x19xf32>
    %div3A_333 = arith.divf %concatenate3A_323, %div3A_332 : vector<2048x19xf32>
    %get3A_334 = arith.constant 0 : index
    %get3A_335 = arith.constant 0 : index
    %get3A_336 = vector.load %arg5[%get3A_334, %get3A_335] : memref<1x2xf32, #tpu.memory_space<vmem>>, vector<1x1xf32>
    %get3A_337 = vector.extract %get3A_336[0, 0] : f32 from vector<1x1xf32>
    %div3A_338 = arith.constant 1.000000e+00 : f32
    %div3A_339 = vector.broadcast %div3A_338 : f32 to vector<2048xf32>
    %div3A_340 = arith.divf %squeeze3A, %div3A_339 : vector<2048xf32>
    %sub3A_341 = arith.constant 5.000000e-01 : f32
    %sub3A_342 = vector.broadcast %sub3A_341 : f32 to vector<2048xf32>
    %sub3A_343 = arith.subf %div3A_340, %sub3A_342 : vector<2048xf32>
    %div3A_344 = vector.broadcast %get3A_337 : f32 to vector<2048xf32>
    %div3A_345 = arith.divf %sub3A_343, %div3A_344 : vector<2048xf32>
    %logistic3A = arith.negf %div3A_345 : vector<2048xf32>
    %logistic3A_346 = math.exp %logistic3A : vector<2048xf32>
    %logistic3A_347 = arith.constant 1.000000e+00 : f32
    %logistic3A_348 = vector.broadcast %logistic3A_347 : f32 to vector<2048xf32>
    %logistic3A_349 = arith.addf %logistic3A_348, %logistic3A_346 : vector<2048xf32>
    %logistic3A_350 = arith.divf %logistic3A_348, %logistic3A_349 : vector<2048xf32>
    %reduce_sum3A_351 = vector.shape_cast %logistic3A_350 : vector<2048xf32> to vector<1x2048xf32>
    %reduce_sum3A_352 = arith.constant dense<0.000000e+00> : vector<1xf32>
    %reduce_sum3A_353 = vector.multi_reduction <add>, %reduce_sum3A_351, %reduce_sum3A_352 [1] : vector<1x2048xf32> to vector<1xf32>
    %reduce_sum3A_354 = vector.shape_cast %reduce_sum3A_353 : vector<1xf32> to vector<1x1xf32>
    %reduce_sum3A_355 = vector.extract %reduce_sum3A_354[0, 0] : f32 from vector<1x1xf32>
    %max3A_356 = arith.constant 9.99999997E-7 : f32
    %max3A_357 = arith.maximumf %reduce_sum3A_355, %max3A_356 : f32
    %div3A_358 = arith.constant 8.000000e+00 : f32
    %div3A_359 = arith.divf %div3A_358, %max3A_357 : f32
    %min3A_360 = arith.constant 1.000000e+00 : f32
    %min3A_361 = arith.minimumf %div3A_359, %min3A_360 : f32
    %mul3A_362 = vector.broadcast %min3A_361 : f32 to vector<2048xf32>
    %mul3A_363 = arith.mulf %logistic3A_350, %mul3A_362 : vector<2048xf32>
    %iota3A_364 = tpu.iota {dimensions = array<i32: 0>} : vector<8x2048xi32>
    %eq3A_365 = arith.constant 0 : i32
    %eq3A_366 = vector.broadcast %eq3A_365 : i32 to vector<8x2048xi32>
    %eq3A_367 = arith.cmpi eq, %iota3A_364, %eq3A_366 : vector<8x2048xi32>
    %broadcast_in_dim3A_368 = vector.shape_cast %mul3A_363 : vector<2048xf32> to vector<1x2048xf32>
    %jit3A_369 = arith.constant 0.000000e+00 : f32
    %broadcast_in_dim3A_370 = vector.shape_cast %broadcast_in_dim3A_368 : vector<1x2048xf32> to vector<1x2048xf32>
    %broadcast_in_dim3A_371 = vector.broadcast %broadcast_in_dim3A_370 : vector<1x2048xf32> to vector<8x2048xf32>
    %broadcast_in_dim3A_372 = vector.broadcast %jit3A_369 : f32 to vector<8x2048xf32>
    %select_n3A_373 = arith.select %eq3A_367, %broadcast_in_dim3A_371, %broadcast_in_dim3A_372 : vector<8x2048xi1>, vector<8x2048xf32>
    %slice3A_374 = vector.extract_strided_slice %div3A_333 {offsets = [0, 0], sizes = [512, 19], strides = [1, 1]} : vector<2048x19xf32> to vector<512x19xf32>
    %dot_general3A_375 = arith.constant dense<0.000000e+00> : vector<512x2048xf32>
    %dot_general3A_376 = tpu.matmul %slice3A_374, %div3A_333, %dot_general3A_375 {dimension_numbers = #tpu.dot_dimension_numbers<[1], [1], [0], [0], [0, 0, 1, 0], [], []>, transpose_lhs_hint = false} : vector<512x19xf32>, vector<2048x19xf32>, vector<512x2048xf32> -> vector<512x2048xf32>
    %dot_general3A_377 = arith.constant dense<0.000000e+00> : vector<8x512xf32>
    %dot_general3A_378 = tpu.matmul %select_n3A_373, %dot_general3A_376, %dot_general3A_377 {dimension_numbers = #tpu.dot_dimension_numbers<[1], [1], [0], [0], [0, 0, 1, 0], [], []>, transpose_lhs_hint = false} : vector<8x2048xf32>, vector<512x2048xf32>, vector<8x512xf32> -> vector<8x512xf32>
    %slice3A_379 = vector.extract_strided_slice %dot_general3A_378 {offsets = [0, 0], sizes = [1, 512], strides = [1, 1]} : vector<8x512xf32> to vector<1x512xf32>
    %squeeze3A_380 = vector.shape_cast %slice3A_379 : vector<1x512xf32> to vector<512xf32>
    %slice3A_381 = vector.extract_strided_slice %div3A_333 {offsets = [512, 0], sizes = [512, 19], strides = [1, 1]} : vector<2048x19xf32> to vector<512x19xf32>
    %dot_general3A_382 = arith.constant dense<0.000000e+00> : vector<512x2048xf32>
    %dot_general3A_383 = tpu.matmul %slice3A_381, %div3A_333, %dot_general3A_382 {dimension_numbers = #tpu.dot_dimension_numbers<[1], [1], [0], [0], [0, 0, 1, 0], [], []>, transpose_lhs_hint = false} : vector<512x19xf32>, vector<2048x19xf32>, vector<512x2048xf32> -> vector<512x2048xf32>
    %dot_general3A_384 = arith.constant dense<0.000000e+00> : vector<8x512xf32>
    %dot_general3A_385 = tpu.matmul %select_n3A_373, %dot_general3A_383, %dot_general3A_384 {dimension_numbers = #tpu.dot_dimension_numbers<[1], [1], [0], [0], [0, 0, 1, 0], [], []>, transpose_lhs_hint = false} : vector<8x2048xf32>, vector<512x2048xf32>, vector<8x512xf32> -> vector<8x512xf32>
    %slice3A_386 = vector.extract_strided_slice %dot_general3A_385 {offsets = [0, 0], sizes = [1, 512], strides = [1, 1]} : vector<8x512xf32> to vector<1x512xf32>
    %squeeze3A_387 = vector.shape_cast %slice3A_386 : vector<1x512xf32> to vector<512xf32>
    %slice3A_388 = vector.extract_strided_slice %div3A_333 {offsets = [1024, 0], sizes = [512, 19], strides = [1, 1]} : vector<2048x19xf32> to vector<512x19xf32>
    %dot_general3A_389 = arith.constant dense<0.000000e+00> : vector<512x2048xf32>
    %dot_general3A_390 = tpu.matmul %slice3A_388, %div3A_333, %dot_general3A_389 {dimension_numbers = #tpu.dot_dimension_numbers<[1], [1], [0], [0], [0, 0, 1, 0], [], []>, transpose_lhs_hint = false} : vector<512x19xf32>, vector<2048x19xf32>, vector<512x2048xf32> -> vector<512x2048xf32>
    %dot_general3A_391 = arith.constant dense<0.000000e+00> : vector<8x512xf32>
    %dot_general3A_392 = tpu.matmul %select_n3A_373, %dot_general3A_390, %dot_general3A_391 {dimension_numbers = #tpu.dot_dimension_numbers<[1], [1], [0], [0], [0, 0, 1, 0], [], []>, transpose_lhs_hint = false} : vector<8x2048xf32>, vector<512x2048xf32>, vector<8x512xf32> -> vector<8x512xf32>
    %slice3A_393 = vector.extract_strided_slice %dot_general3A_392 {offsets = [0, 0], sizes = [1, 512], strides = [1, 1]} : vector<8x512xf32> to vector<1x512xf32>
    %squeeze3A_394 = vector.shape_cast %slice3A_393 : vector<1x512xf32> to vector<512xf32>
    %slice3A_395 = vector.extract_strided_slice %div3A_333 {offsets = [1536, 0], sizes = [512, 19], strides = [1, 1]} : vector<2048x19xf32> to vector<512x19xf32>
    %dot_general3A_396 = arith.constant dense<0.000000e+00> : vector<512x2048xf32>
    %dot_general3A_397 = tpu.matmul %slice3A_395, %div3A_333, %dot_general3A_396 {dimension_numbers = #tpu.dot_dimension_numbers<[1], [1], [0], [0], [0, 0, 1, 0], [], []>, transpose_lhs_hint = false} : vector<512x19xf32>, vector<2048x19xf32>, vector<512x2048xf32> -> vector<512x2048xf32>
    %dot_general3A_398 = arith.constant dense<0.000000e+00> : vector<8x512xf32>
    %dot_general3A_399 = tpu.matmul %select_n3A_373, %dot_general3A_397, %dot_general3A_398 {dimension_numbers = #tpu.dot_dimension_numbers<[1], [1], [0], [0], [0, 0, 1, 0], [], []>, transpose_lhs_hint = false} : vector<8x2048xf32>, vector<512x2048xf32>, vector<8x512xf32> -> vector<8x512xf32>
    %slice3A_400 = vector.extract_strided_slice %dot_general3A_399 {offsets = [0, 0], sizes = [1, 512], strides = [1, 1]} : vector<8x512xf32> to vector<1x512xf32>
    %squeeze3A_401 = vector.shape_cast %slice3A_400 : vector<1x512xf32> to vector<512xf32>
    %concatenate3A_402 = tpu.concatenate %squeeze3A_380, %squeeze3A_387, %squeeze3A_394, %squeeze3A_401 in 0 : vector<512xf32>, vector<512xf32>, vector<512xf32>, vector<512xf32> -> vector<2048xf32>
    %add3A_403 = arith.constant 1.000000e+00 : f32
    %add3A_404 = vector.broadcast %add3A_403 : f32 to vector<2048xf32>
    %add3A_405 = arith.addf %add3A_404, %concatenate3A_402 : vector<2048xf32>
    %div3A_406 = arith.divf %mul3A_363, %add3A_405 : vector<2048xf32>
    %reduce_sum3A_407 = vector.shape_cast %div3A_406 : vector<2048xf32> to vector<1x2048xf32>
    %reduce_sum3A_408 = arith.constant dense<0.000000e+00> : vector<1xf32>
    %reduce_sum3A_409 = vector.multi_reduction <add>, %reduce_sum3A_407, %reduce_sum3A_408 [1] : vector<1x2048xf32> to vector<1xf32>
    %reduce_sum3A_410 = vector.shape_cast %reduce_sum3A_409 : vector<1xf32> to vector<1x1xf32>
    %reduce_sum3A_411 = vector.extract %reduce_sum3A_410[0, 0] : f32 from vector<1x1xf32>
    %max3A_412 = arith.constant 9.99999997E-7 : f32
    %max3A_413 = arith.maximumf %reduce_sum3A_411, %max3A_412 : f32
    %div3A_414 = arith.constant 8.000000e+00 : f32
    %div3A_415 = arith.divf %div3A_414, %max3A_413 : f32
    %min3A_416 = arith.constant 1.000000e+00 : f32
    %min3A_417 = arith.minimumf %div3A_415, %min3A_416 : f32
    %mul3A_418 = vector.broadcast %min3A_417 : f32 to vector<2048xf32>
    %mul3A_419 = arith.mulf %div3A_406, %mul3A_418 : vector<2048xf32>
    %swap3A = arith.constant 0 : index
    %swap3A_420 = arith.constant 0 : index
    %swap3A_421 = arith.constant 0 : index
    %swap3A_422 = vector.load %arg13[%swap3A, %swap3A_420, %swap3A_421] : memref<1x1x2048xf32, #tpu.memory_space<vmem>>, vector<1x1x2048xf32>
    %swap3A_423 = vector.shape_cast %swap3A_422 : vector<1x1x2048xf32> to vector<2048xf32>
    %swap3A_424 = vector.shape_cast %mul3A_419 : vector<2048xf32> to vector<1x1x2048xf32>
    tpu.vector_store %arg13[%swap3A, %swap3A_420, %swap3A_421], %swap3A_424 {strides = array<i32>} : memref<1x1x2048xf32, #tpu.memory_space<vmem>>, vector<1x1x2048xf32>,
    %iota3A_425 = tpu.iota {dimensions = array<i32: 1>} : vector<1x2048xi32>
    %iota3A_426 = vector.shape_cast %iota3A_425 : vector<1x2048xi32> to vector<2048xi32>
    %reduce_max3A = vector.shape_cast %mul3A_419 : vector<2048xf32> to vector<1x2048xf32>
    %reduce_max3A_427 = arith.constant dense<0xFF800000> : vector<1xf32>
    %reduce_max3A_428 = vector.multi_reduction <maximumf>, %reduce_max3A, %reduce_max3A_427 [1] : vector<1x2048xf32> to vector<1xf32>
    %reduce_max3A_429 = vector.shape_cast %reduce_max3A_428 : vector<1xf32> to vector<1x1xf32>
    %reduce_max3A_430 = vector.extract %reduce_max3A_429[0, 0] : f32 from vector<1x1xf32>
    %eq3A_431 = vector.broadcast %reduce_max3A_430 : f32 to vector<2048xf32>
    %eq3A_432 = arith.cmpf oeq, %mul3A_419, %eq3A_431 : vector<2048xf32>
    %jit3A_433 = arith.constant 2048 : i32
    %broadcast_in_dim3A_434 = vector.broadcast %jit3A_433 : i32 to vector<2048xi32>
    %select_n3A_435 = arith.select %eq3A_432, %iota3A_426, %broadcast_in_dim3A_434 : vector<2048xi1>, vector<2048xi32>
    %reduce_min3A_436 = vector.shape_cast %select_n3A_435 : vector<2048xi32> to vector<1x2048xi32>
    %reduce_min3A_437 = arith.constant dense<2147483647> : vector<1xi32>
    %reduce_min3A_438 = vector.multi_reduction <minsi>, %reduce_min3A_436, %reduce_min3A_437 [1] : vector<1x2048xi32> to vector<1xi32>
    %reduce_min3A_439 = vector.shape_cast %reduce_min3A_438 : vector<1xi32> to vector<1x1xi32>
    %reduce_min3A_440 = vector.extract %reduce_min3A_439[0, 0] : i32 from vector<1x1xi32>
    %eq3A_441 = vector.broadcast %reduce_min3A_440 : i32 to vector<2048xi32>
    %eq3A_442 = arith.cmpi eq, %iota3A_426, %eq3A_441 : vector<2048xi32>
    %jit3A_443 = arith.constant 1.000000e+00 : f32
    %jit3A_444 = arith.constant 0.000000e+00 : f32
    %broadcast_in_dim3A_445 = vector.broadcast %jit3A_443 : f32 to vector<2048xf32>
    %broadcast_in_dim3A_446 = vector.broadcast %jit3A_444 : f32 to vector<2048xf32>
    %select_n3A_447 = arith.select %eq3A_442, %broadcast_in_dim3A_445, %broadcast_in_dim3A_446 : vector<2048xi1>, vector<2048xf32>
    %broadcast_in_dim3A_448 = vector.shape_cast %select_n3A_447 : vector<2048xf32> to vector<1x2048xf32>
    %jit3A_449 = arith.constant -1.000000e+00 : f32
    %broadcast_in_dim3A_450 = vector.broadcast %jit3A_449 : f32 to vector<2048xf32>
    %select_n3A_451 = arith.select %eq3A_442, %broadcast_in_dim3A_450, %mul3A_419 : vector<2048xi1>, vector<2048xf32>
    %reduce_max3A_452 = vector.shape_cast %select_n3A_451 : vector<2048xf32> to vector<1x2048xf32>
    %reduce_max3A_453 = arith.constant dense<0xFF800000> : vector<1xf32>
    %reduce_max3A_454 = vector.multi_reduction <maximumf>, %reduce_max3A_452, %reduce_max3A_453 [1] : vector<1x2048xf32> to vector<1xf32>
    %reduce_max3A_455 = vector.shape_cast %reduce_max3A_454 : vector<1xf32> to vector<1x1xf32>
    %reduce_max3A_456 = vector.extract %reduce_max3A_455[0, 0] : f32 from vector<1x1xf32>
    %eq3A_457 = vector.broadcast %reduce_max3A_456 : f32 to vector<2048xf32>
    %eq3A_458 = arith.cmpf oeq, %select_n3A_451, %eq3A_457 : vector<2048xf32>
    %jit3A_459 = arith.constant 2048 : i32
    %broadcast_in_dim3A_460 = vector.broadcast %jit3A_459 : i32 to vector<2048xi32>
    %select_n3A_461 = arith.select %eq3A_458, %iota3A_426, %broadcast_in_dim3A_460 : vector<2048xi1>, vector<2048xi32>
    %reduce_min3A_462 = vector.shape_cast %select_n3A_461 : vector<2048xi32> to vector<1x2048xi32>
    %reduce_min3A_463 = arith.constant dense<2147483647> : vector<1xi32>
    %reduce_min3A_464 = vector.multi_reduction <minsi>, %reduce_min3A_462, %reduce_min3A_463 [1] : vector<1x2048xi32> to vector<1xi32>
    %reduce_min3A_465 = vector.shape_cast %reduce_min3A_464 : vector<1xi32> to vector<1x1xi32>
    %reduce_min3A_466 = vector.extract %reduce_min3A_465[0, 0] : i32 from vector<1x1xi32>
    %eq3A_467 = vector.broadcast %reduce_min3A_466 : i32 to vector<2048xi32>
    %eq3A_468 = arith.cmpi eq, %iota3A_426, %eq3A_467 : vector<2048xi32>
    %jit3A_469 = arith.constant 1.000000e+00 : f32
    %jit3A_470 = arith.constant 0.000000e+00 : f32
    %broadcast_in_dim3A_471 = vector.broadcast %jit3A_469 : f32 to vector<2048xf32>
    %broadcast_in_dim3A_472 = vector.broadcast %jit3A_470 : f32 to vector<2048xf32>
    %select_n3A_473 = arith.select %eq3A_468, %broadcast_in_dim3A_471, %broadcast_in_dim3A_472 : vector<2048xi1>, vector<2048xf32>
    %broadcast_in_dim3A_474 = vector.shape_cast %select_n3A_473 : vector<2048xf32> to vector<1x2048xf32>
    %jit3A_475 = arith.constant -1.000000e+00 : f32
    %broadcast_in_dim3A_476 = vector.broadcast %jit3A_475 : f32 to vector<2048xf32>
    %select_n3A_477 = arith.select %eq3A_468, %broadcast_in_dim3A_476, %select_n3A_451 : vector<2048xi1>, vector<2048xf32>
    %reduce_max3A_478 = vector.shape_cast %select_n3A_477 : vector<2048xf32> to vector<1x2048xf32>
    %reduce_max3A_479 = arith.constant dense<0xFF800000> : vector<1xf32>
    %reduce_max3A_480 = vector.multi_reduction <maximumf>, %reduce_max3A_478, %reduce_max3A_479 [1] : vector<1x2048xf32> to vector<1xf32>
    %reduce_max3A_481 = vector.shape_cast %reduce_max3A_480 : vector<1xf32> to vector<1x1xf32>
    %reduce_max3A_482 = vector.extract %reduce_max3A_481[0, 0] : f32 from vector<1x1xf32>
    %eq3A_483 = vector.broadcast %reduce_max3A_482 : f32 to vector<2048xf32>
    %eq3A_484 = arith.cmpf oeq, %select_n3A_477, %eq3A_483 : vector<2048xf32>
    %jit3A_485 = arith.constant 2048 : i32
    %broadcast_in_dim3A_486 = vector.broadcast %jit3A_485 : i32 to vector<2048xi32>
    %select_n3A_487 = arith.select %eq3A_484, %iota3A_426, %broadcast_in_dim3A_486 : vector<2048xi1>, vector<2048xi32>
    %reduce_min3A_488 = vector.shape_cast %select_n3A_487 : vector<2048xi32> to vector<1x2048xi32>
    %reduce_min3A_489 = arith.constant dense<2147483647> : vector<1xi32>
    %reduce_min3A_490 = vector.multi_reduction <minsi>, %reduce_min3A_488, %reduce_min3A_489 [1] : vector<1x2048xi32> to vector<1xi32>
    %reduce_min3A_491 = vector.shape_cast %reduce_min3A_490 : vector<1xi32> to vector<1x1xi32>
    %reduce_min3A_492 = vector.extract %reduce_min3A_491[0, 0] : i32 from vector<1x1xi32>
    %eq3A_493 = vector.broadcast %reduce_min3A_492 : i32 to vector<2048xi32>
    %eq3A_494 = arith.cmpi eq, %iota3A_426, %eq3A_493 : vector<2048xi32>
    %jit3A_495 = arith.constant 1.000000e+00 : f32
    %jit3A_496 = arith.constant 0.000000e+00 : f32
    %broadcast_in_dim3A_497 = vector.broadcast %jit3A_495 : f32 to vector<2048xf32>
    %broadcast_in_dim3A_498 = vector.broadcast %jit3A_496 : f32 to vector<2048xf32>
    %select_n3A_499 = arith.select %eq3A_494, %broadcast_in_dim3A_497, %broadcast_in_dim3A_498 : vector<2048xi1>, vector<2048xf32>
    %broadcast_in_dim3A_500 = vector.shape_cast %select_n3A_499 : vector<2048xf32> to vector<1x2048xf32>
    %jit3A_501 = arith.constant -1.000000e+00 : f32
    %broadcast_in_dim3A_502 = vector.broadcast %jit3A_501 : f32 to vector<2048xf32>
    %select_n3A_503 = arith.select %eq3A_494, %broadcast_in_dim3A_502, %select_n3A_477 : vector<2048xi1>, vector<2048xf32>
    %reduce_max3A_504 = vector.shape_cast %select_n3A_503 : vector<2048xf32> to vector<1x2048xf32>
    %reduce_max3A_505 = arith.constant dense<0xFF800000> : vector<1xf32>
    %reduce_max3A_506 = vector.multi_reduction <maximumf>, %reduce_max3A_504, %reduce_max3A_505 [1] : vector<1x2048xf32> to vector<1xf32>
    %reduce_max3A_507 = vector.shape_cast %reduce_max3A_506 : vector<1xf32> to vector<1x1xf32>
    %reduce_max3A_508 = vector.extract %reduce_max3A_507[0, 0] : f32 from vector<1x1xf32>
    %eq3A_509 = vector.broadcast %reduce_max3A_508 : f32 to vector<2048xf32>
    %eq3A_510 = arith.cmpf oeq, %select_n3A_503, %eq3A_509 : vector<2048xf32>
    %jit3A_511 = arith.constant 2048 : i32
    %broadcast_in_dim3A_512 = vector.broadcast %jit3A_511 : i32 to vector<2048xi32>
    %select_n3A_513 = arith.select %eq3A_510, %iota3A_426, %broadcast_in_dim3A_512 : vector<2048xi1>, vector<2048xi32>
    %reduce_min3A_514 = vector.shape_cast %select_n3A_513 : vector<2048xi32> to vector<1x2048xi32>
    %reduce_min3A_515 = arith.constant dense<2147483647> : vector<1xi32>
    %reduce_min3A_516 = vector.multi_reduction <minsi>, %reduce_min3A_514, %reduce_min3A_515 [1] : vector<1x2048xi32> to vector<1xi32>
    %reduce_min3A_517 = vector.shape_cast %reduce_min3A_516 : vector<1xi32> to vector<1x1xi32>
    %reduce_min3A_518 = vector.extract %reduce_min3A_517[0, 0] : i32 from vector<1x1xi32>
    %eq3A_519 = vector.broadcast %reduce_min3A_518 : i32 to vector<2048xi32>
    %eq3A_520 = arith.cmpi eq, %iota3A_426, %eq3A_519 : vector<2048xi32>
    %jit3A_521 = arith.constant 1.000000e+00 : f32
    %jit3A_522 = arith.constant 0.000000e+00 : f32
    %broadcast_in_dim3A_523 = vector.broadcast %jit3A_521 : f32 to vector<2048xf32>
    %broadcast_in_dim3A_524 = vector.broadcast %jit3A_522 : f32 to vector<2048xf32>
    %select_n3A_525 = arith.select %eq3A_520, %broadcast_in_dim3A_523, %broadcast_in_dim3A_524 : vector<2048xi1>, vector<2048xf32>
    %broadcast_in_dim3A_526 = vector.shape_cast %select_n3A_525 : vector<2048xf32> to vector<1x2048xf32>
    %jit3A_527 = arith.constant -1.000000e+00 : f32
    %broadcast_in_dim3A_528 = vector.broadcast %jit3A_527 : f32 to vector<2048xf32>
    %select_n3A_529 = arith.select %eq3A_520, %broadcast_in_dim3A_528, %select_n3A_503 : vector<2048xi1>, vector<2048xf32>
    %reduce_max3A_530 = vector.shape_cast %select_n3A_529 : vector<2048xf32> to vector<1x2048xf32>
    %reduce_max3A_531 = arith.constant dense<0xFF800000> : vector<1xf32>
    %reduce_max3A_532 = vector.multi_reduction <maximumf>, %reduce_max3A_530, %reduce_max3A_531 [1] : vector<1x2048xf32> to vector<1xf32>
    %reduce_max3A_533 = vector.shape_cast %reduce_max3A_532 : vector<1xf32> to vector<1x1xf32>
    %reduce_max3A_534 = vector.extract %reduce_max3A_533[0, 0] : f32 from vector<1x1xf32>
    %eq3A_535 = vector.broadcast %reduce_max3A_534 : f32 to vector<2048xf32>
    %eq3A_536 = arith.cmpf oeq, %select_n3A_529, %eq3A_535 : vector<2048xf32>
    %jit3A_537 = arith.constant 2048 : i32
    %broadcast_in_dim3A_538 = vector.broadcast %jit3A_537 : i32 to vector<2048xi32>
    %select_n3A_539 = arith.select %eq3A_536, %iota3A_426, %broadcast_in_dim3A_538 : vector<2048xi1>, vector<2048xi32>
    %reduce_min3A_540 = vector.shape_cast %select_n3A_539 : vector<2048xi32> to vector<1x2048xi32>
    %reduce_min3A_541 = arith.constant dense<2147483647> : vector<1xi32>
    %reduce_min3A_542 = vector.multi_reduction <minsi>, %reduce_min3A_540, %reduce_min3A_541 [1] : vector<1x2048xi32> to vector<1xi32>
    %reduce_min3A_543 = vector.shape_cast %reduce_min3A_542 : vector<1xi32> to vector<1x1xi32>
    %reduce_min3A_544 = vector.extract %reduce_min3A_543[0, 0] : i32 from vector<1x1xi32>
    %eq3A_545 = vector.broadcast %reduce_min3A_544 : i32 to vector<2048xi32>
    %eq3A_546 = arith.cmpi eq, %iota3A_426, %eq3A_545 : vector<2048xi32>
    %jit3A_547 = arith.constant 1.000000e+00 : f32
    %jit3A_548 = arith.constant 0.000000e+00 : f32
    %broadcast_in_dim3A_549 = vector.broadcast %jit3A_547 : f32 to vector<2048xf32>
    %broadcast_in_dim3A_550 = vector.broadcast %jit3A_548 : f32 to vector<2048xf32>
    %select_n3A_551 = arith.select %eq3A_546, %broadcast_in_dim3A_549, %broadcast_in_dim3A_550 : vector<2048xi1>, vector<2048xf32>
    %broadcast_in_dim3A_552 = vector.shape_cast %select_n3A_551 : vector<2048xf32> to vector<1x2048xf32>
    %jit3A_553 = arith.constant -1.000000e+00 : f32
    %broadcast_in_dim3A_554 = vector.broadcast %jit3A_553 : f32 to vector<2048xf32>
    %select_n3A_555 = arith.select %eq3A_546, %broadcast_in_dim3A_554, %select_n3A_529 : vector<2048xi1>, vector<2048xf32>
    %reduce_max3A_556 = vector.shape_cast %select_n3A_555 : vector<2048xf32> to vector<1x2048xf32>
    %reduce_max3A_557 = arith.constant dense<0xFF800000> : vector<1xf32>
    %reduce_max3A_558 = vector.multi_reduction <maximumf>, %reduce_max3A_556, %reduce_max3A_557 [1] : vector<1x2048xf32> to vector<1xf32>
    %reduce_max3A_559 = vector.shape_cast %reduce_max3A_558 : vector<1xf32> to vector<1x1xf32>
    %reduce_max3A_560 = vector.extract %reduce_max3A_559[0, 0] : f32 from vector<1x1xf32>
    %eq3A_561 = vector.broadcast %reduce_max3A_560 : f32 to vector<2048xf32>
    %eq3A_562 = arith.cmpf oeq, %select_n3A_555, %eq3A_561 : vector<2048xf32>
    %jit3A_563 = arith.constant 2048 : i32
    %broadcast_in_dim3A_564 = vector.broadcast %jit3A_563 : i32 to vector<2048xi32>
    %select_n3A_565 = arith.select %eq3A_562, %iota3A_426, %broadcast_in_dim3A_564 : vector<2048xi1>, vector<2048xi32>
    %reduce_min3A_566 = vector.shape_cast %select_n3A_565 : vector<2048xi32> to vector<1x2048xi32>
    %reduce_min3A_567 = arith.constant dense<2147483647> : vector<1xi32>
    %reduce_min3A_568 = vector.multi_reduction <minsi>, %reduce_min3A_566, %reduce_min3A_567 [1] : vector<1x2048xi32> to vector<1xi32>
    %reduce_min3A_569 = vector.shape_cast %reduce_min3A_568 : vector<1xi32> to vector<1x1xi32>
    %reduce_min3A_570 = vector.extract %reduce_min3A_569[0, 0] : i32 from vector<1x1xi32>
    %eq3A_571 = vector.broadcast %reduce_min3A_570 : i32 to vector<2048xi32>
    %eq3A_572 = arith.cmpi eq, %iota3A_426, %eq3A_571 : vector<2048xi32>
    %jit3A_573 = arith.constant 1.000000e+00 : f32
    %jit3A_574 = arith.constant 0.000000e+00 : f32
    %broadcast_in_dim3A_575 = vector.broadcast %jit3A_573 : f32 to vector<2048xf32>
    %broadcast_in_dim3A_576 = vector.broadcast %jit3A_574 : f32 to vector<2048xf32>
    %select_n3A_577 = arith.select %eq3A_572, %broadcast_in_dim3A_575, %broadcast_in_dim3A_576 : vector<2048xi1>, vector<2048xf32>
    %broadcast_in_dim3A_578 = vector.shape_cast %select_n3A_577 : vector<2048xf32> to vector<1x2048xf32>
    %jit3A_579 = arith.constant -1.000000e+00 : f32
    %broadcast_in_dim3A_580 = vector.broadcast %jit3A_579 : f32 to vector<2048xf32>
    %select_n3A_581 = arith.select %eq3A_572, %broadcast_in_dim3A_580, %select_n3A_555 : vector<2048xi1>, vector<2048xf32>
    %reduce_max3A_582 = vector.shape_cast %select_n3A_581 : vector<2048xf32> to vector<1x2048xf32>
    %reduce_max3A_583 = arith.constant dense<0xFF800000> : vector<1xf32>
    %reduce_max3A_584 = vector.multi_reduction <maximumf>, %reduce_max3A_582, %reduce_max3A_583 [1] : vector<1x2048xf32> to vector<1xf32>
    %reduce_max3A_585 = vector.shape_cast %reduce_max3A_584 : vector<1xf32> to vector<1x1xf32>
    %reduce_max3A_586 = vector.extract %reduce_max3A_585[0, 0] : f32 from vector<1x1xf32>
    %eq3A_587 = vector.broadcast %reduce_max3A_586 : f32 to vector<2048xf32>
    %eq3A_588 = arith.cmpf oeq, %select_n3A_581, %eq3A_587 : vector<2048xf32>
    %jit3A_589 = arith.constant 2048 : i32
    %broadcast_in_dim3A_590 = vector.broadcast %jit3A_589 : i32 to vector<2048xi32>
    %select_n3A_591 = arith.select %eq3A_588, %iota3A_426, %broadcast_in_dim3A_590 : vector<2048xi1>, vector<2048xi32>
    %reduce_min3A_592 = vector.shape_cast %select_n3A_591 : vector<2048xi32> to vector<1x2048xi32>
    %reduce_min3A_593 = arith.constant dense<2147483647> : vector<1xi32>
    %reduce_min3A_594 = vector.multi_reduction <minsi>, %reduce_min3A_592, %reduce_min3A_593 [1] : vector<1x2048xi32> to vector<1xi32>
    %reduce_min3A_595 = vector.shape_cast %reduce_min3A_594 : vector<1xi32> to vector<1x1xi32>
    %reduce_min3A_596 = vector.extract %reduce_min3A_595[0, 0] : i32 from vector<1x1xi32>
    %eq3A_597 = vector.broadcast %reduce_min3A_596 : i32 to vector<2048xi32>
    %eq3A_598 = arith.cmpi eq, %iota3A_426, %eq3A_597 : vector<2048xi32>
    %jit3A_599 = arith.constant 1.000000e+00 : f32
    %jit3A_600 = arith.constant 0.000000e+00 : f32
    %broadcast_in_dim3A_601 = vector.broadcast %jit3A_599 : f32 to vector<2048xf32>
    %broadcast_in_dim3A_602 = vector.broadcast %jit3A_600 : f32 to vector<2048xf32>
    %select_n3A_603 = arith.select %eq3A_598, %broadcast_in_dim3A_601, %broadcast_in_dim3A_602 : vector<2048xi1>, vector<2048xf32>
    %broadcast_in_dim3A_604 = vector.shape_cast %select_n3A_603 : vector<2048xf32> to vector<1x2048xf32>
    %jit3A_605 = arith.constant -1.000000e+00 : f32
    %broadcast_in_dim3A_606 = vector.broadcast %jit3A_605 : f32 to vector<2048xf32>
    %select_n3A_607 = arith.select %eq3A_598, %broadcast_in_dim3A_606, %select_n3A_581 : vector<2048xi1>, vector<2048xf32>
    %reduce_max3A_608 = vector.shape_cast %select_n3A_607 : vector<2048xf32> to vector<1x2048xf32>
    %reduce_max3A_609 = arith.constant dense<0xFF800000> : vector<1xf32>
    %reduce_max3A_610 = vector.multi_reduction <maximumf>, %reduce_max3A_608, %reduce_max3A_609 [1] : vector<1x2048xf32> to vector<1xf32>
    %reduce_max3A_611 = vector.shape_cast %reduce_max3A_610 : vector<1xf32> to vector<1x1xf32>
    %reduce_max3A_612 = vector.extract %reduce_max3A_611[0, 0] : f32 from vector<1x1xf32>
    %eq3A_613 = vector.broadcast %reduce_max3A_612 : f32 to vector<2048xf32>
    %eq3A_614 = arith.cmpf oeq, %select_n3A_607, %eq3A_613 : vector<2048xf32>
    %jit3A_615 = arith.constant 2048 : i32
    %broadcast_in_dim3A_616 = vector.broadcast %jit3A_615 : i32 to vector<2048xi32>
    %select_n3A_617 = arith.select %eq3A_614, %iota3A_426, %broadcast_in_dim3A_616 : vector<2048xi1>, vector<2048xi32>
    %reduce_min3A_618 = vector.shape_cast %select_n3A_617 : vector<2048xi32> to vector<1x2048xi32>
    %reduce_min3A_619 = arith.constant dense<2147483647> : vector<1xi32>
    %reduce_min3A_620 = vector.multi_reduction <minsi>, %reduce_min3A_618, %reduce_min3A_619 [1] : vector<1x2048xi32> to vector<1xi32>
    %reduce_min3A_621 = vector.shape_cast %reduce_min3A_620 : vector<1xi32> to vector<1x1xi32>
    %reduce_min3A_622 = vector.extract %reduce_min3A_621[0, 0] : i32 from vector<1x1xi32>
    %eq3A_623 = vector.broadcast %reduce_min3A_622 : i32 to vector<2048xi32>
    %eq3A_624 = arith.cmpi eq, %iota3A_426, %eq3A_623 : vector<2048xi32>
    %jit3A_625 = arith.constant 1.000000e+00 : f32
    %jit3A_626 = arith.constant 0.000000e+00 : f32
    %broadcast_in_dim3A_627 = vector.broadcast %jit3A_625 : f32 to vector<2048xf32>
    %broadcast_in_dim3A_628 = vector.broadcast %jit3A_626 : f32 to vector<2048xf32>
    %select_n3A_629 = arith.select %eq3A_624, %broadcast_in_dim3A_627, %broadcast_in_dim3A_628 : vector<2048xi1>, vector<2048xf32>
    %broadcast_in_dim3A_630 = vector.shape_cast %select_n3A_629 : vector<2048xf32> to vector<1x2048xf32>
    %jit3A_631 = arith.constant -1.000000e+00 : f32
    %broadcast_in_dim3A_632 = vector.broadcast %jit3A_631 : f32 to vector<2048xf32>
    %select_n3A_633 = arith.select %eq3A_624, %broadcast_in_dim3A_632, %select_n3A_607 : vector<2048xi1>, vector<2048xf32>
    %reduce_max3A_634 = vector.shape_cast %select_n3A_633 : vector<2048xf32> to vector<1x2048xf32>
    %reduce_max3A_635 = arith.constant dense<0xFF800000> : vector<1xf32>
    %reduce_max3A_636 = vector.multi_reduction <maximumf>, %reduce_max3A_634, %reduce_max3A_635 [1] : vector<1x2048xf32> to vector<1xf32>
    %reduce_max3A_637 = vector.shape_cast %reduce_max3A_636 : vector<1xf32> to vector<1x1xf32>
    %reduce_max3A_638 = vector.extract %reduce_max3A_637[0, 0] : f32 from vector<1x1xf32>
    %eq3A_639 = vector.broadcast %reduce_max3A_638 : f32 to vector<2048xf32>
    %eq3A_640 = arith.cmpf oeq, %select_n3A_633, %eq3A_639 : vector<2048xf32>
    %jit3A_641 = arith.constant 2048 : i32
    %broadcast_in_dim3A_642 = vector.broadcast %jit3A_641 : i32 to vector<2048xi32>
    %select_n3A_643 = arith.select %eq3A_640, %iota3A_426, %broadcast_in_dim3A_642 : vector<2048xi1>, vector<2048xi32>
    %reduce_min3A_644 = vector.shape_cast %select_n3A_643 : vector<2048xi32> to vector<1x2048xi32>
    %reduce_min3A_645 = arith.constant dense<2147483647> : vector<1xi32>
    %reduce_min3A_646 = vector.multi_reduction <minsi>, %reduce_min3A_644, %reduce_min3A_645 [1] : vector<1x2048xi32> to vector<1xi32>
    %reduce_min3A_647 = vector.shape_cast %reduce_min3A_646 : vector<1xi32> to vector<1x1xi32>
    %reduce_min3A_648 = vector.extract %reduce_min3A_647[0, 0] : i32 from vector<1x1xi32>
    %eq3A_649 = vector.broadcast %reduce_min3A_648 : i32 to vector<2048xi32>
    %eq3A_650 = arith.cmpi eq, %iota3A_426, %eq3A_649 : vector<2048xi32>
    %jit3A_651 = arith.constant 1.000000e+00 : f32
    %jit3A_652 = arith.constant 0.000000e+00 : f32
    %broadcast_in_dim3A_653 = vector.broadcast %jit3A_651 : f32 to vector<2048xf32>
    %broadcast_in_dim3A_654 = vector.broadcast %jit3A_652 : f32 to vector<2048xf32>
    %select_n3A_655 = arith.select %eq3A_650, %broadcast_in_dim3A_653, %broadcast_in_dim3A_654 : vector<2048xi1>, vector<2048xf32>
    %broadcast_in_dim3A_656 = vector.shape_cast %select_n3A_655 : vector<2048xf32> to vector<1x2048xf32>
    %jit3A_657 = arith.constant -1.000000e+00 : f32
    %broadcast_in_dim3A_658 = vector.broadcast %jit3A_657 : f32 to vector<2048xf32>
    %select_n3A_659 = arith.select %eq3A_650, %broadcast_in_dim3A_658, %select_n3A_633 : vector<2048xi1>, vector<2048xf32>
    %reduce_max3A_660 = vector.shape_cast %select_n3A_659 : vector<2048xf32> to vector<1x2048xf32>
    %reduce_max3A_661 = arith.constant dense<0xFF800000> : vector<1xf32>
    %reduce_max3A_662 = vector.multi_reduction <maximumf>, %reduce_max3A_660, %reduce_max3A_661 [1] : vector<1x2048xf32> to vector<1xf32>
    %reduce_max3A_663 = vector.shape_cast %reduce_max3A_662 : vector<1xf32> to vector<1x1xf32>
    %reduce_max3A_664 = vector.extract %reduce_max3A_663[0, 0] : f32 from vector<1x1xf32>
    %eq3A_665 = vector.broadcast %reduce_max3A_664 : f32 to vector<2048xf32>
    %eq3A_666 = arith.cmpf oeq, %select_n3A_659, %eq3A_665 : vector<2048xf32>
    %jit3A_667 = arith.constant 2048 : i32
    %broadcast_in_dim3A_668 = vector.broadcast %jit3A_667 : i32 to vector<2048xi32>
    %select_n3A_669 = arith.select %eq3A_666, %iota3A_426, %broadcast_in_dim3A_668 : vector<2048xi1>, vector<2048xi32>
    %reduce_min3A_670 = vector.shape_cast %select_n3A_669 : vector<2048xi32> to vector<1x2048xi32>
    %reduce_min3A_671 = arith.constant dense<2147483647> : vector<1xi32>
    %reduce_min3A_672 = vector.multi_reduction <minsi>, %reduce_min3A_670, %reduce_min3A_671 [1] : vector<1x2048xi32> to vector<1xi32>
    %reduce_min3A_673 = vector.shape_cast %reduce_min3A_672 : vector<1xi32> to vector<1x1xi32>
    %reduce_min3A_674 = vector.extract %reduce_min3A_673[0, 0] : i32 from vector<1x1xi32>
    %eq3A_675 = vector.broadcast %reduce_min3A_674 : i32 to vector<2048xi32>
    %eq3A_676 = arith.cmpi eq, %iota3A_426, %eq3A_675 : vector<2048xi32>
    %jit3A_677 = arith.constant 1.000000e+00 : f32
    %jit3A_678 = arith.constant 0.000000e+00 : f32
    %broadcast_in_dim3A_679 = vector.broadcast %jit3A_677 : f32 to vector<2048xf32>
    %broadcast_in_dim3A_680 = vector.broadcast %jit3A_678 : f32 to vector<2048xf32>
    %select_n3A_681 = arith.select %eq3A_676, %broadcast_in_dim3A_679, %broadcast_in_dim3A_680 : vector<2048xi1>, vector<2048xf32>
    %broadcast_in_dim3A_682 = vector.shape_cast %select_n3A_681 : vector<2048xf32> to vector<1x2048xf32>
    %jit3A_683 = arith.constant -1.000000e+00 : f32
    %broadcast_in_dim3A_684 = vector.broadcast %jit3A_683 : f32 to vector<2048xf32>
    %select_n3A_685 = arith.select %eq3A_676, %broadcast_in_dim3A_684, %select_n3A_659 : vector<2048xi1>, vector<2048xf32>
    %reduce_max3A_686 = vector.shape_cast %select_n3A_685 : vector<2048xf32> to vector<1x2048xf32>
    %reduce_max3A_687 = arith.constant dense<0xFF800000> : vector<1xf32>
    %reduce_max3A_688 = vector.multi_reduction <maximumf>, %reduce_max3A_686, %reduce_max3A_687 [1] : vector<1x2048xf32> to vector<1xf32>
    %reduce_max3A_689 = vector.shape_cast %reduce_max3A_688 : vector<1xf32> to vector<1x1xf32>
    %reduce_max3A_690 = vector.extract %reduce_max3A_689[0, 0] : f32 from vector<1x1xf32>
    %eq3A_691 = vector.broadcast %reduce_max3A_690 : f32 to vector<2048xf32>
    %eq3A_692 = arith.cmpf oeq, %select_n3A_685, %eq3A_691 : vector<2048xf32>
    %jit3A_693 = arith.constant 2048 : i32
    %broadcast_in_dim3A_694 = vector.broadcast %jit3A_693 : i32 to vector<2048xi32>
    %select_n3A_695 = arith.select %eq3A_692, %iota3A_426, %broadcast_in_dim3A_694 : vector<2048xi1>, vector<2048xi32>
    %reduce_min3A_696 = vector.shape_cast %select_n3A_695 : vector<2048xi32> to vector<1x2048xi32>
    %reduce_min3A_697 = arith.constant dense<2147483647> : vector<1xi32>
    %reduce_min3A_698 = vector.multi_reduction <minsi>, %reduce_min3A_696, %reduce_min3A_697 [1] : vector<1x2048xi32> to vector<1xi32>
    %reduce_min3A_699 = vector.shape_cast %reduce_min3A_698 : vector<1xi32> to vector<1x1xi32>
    %reduce_min3A_700 = vector.extract %reduce_min3A_699[0, 0] : i32 from vector<1x1xi32>
    %eq3A_701 = vector.broadcast %reduce_min3A_700 : i32 to vector<2048xi32>
    %eq3A_702 = arith.cmpi eq, %iota3A_426, %eq3A_701 : vector<2048xi32>
    %jit3A_703 = arith.constant 1.000000e+00 : f32
    %jit3A_704 = arith.constant 0.000000e+00 : f32
    %broadcast_in_dim3A_705 = vector.broadcast %jit3A_703 : f32 to vector<2048xf32>
    %broadcast_in_dim3A_706 = vector.broadcast %jit3A_704 : f32 to vector<2048xf32>
    %select_n3A_707 = arith.select %eq3A_702, %broadcast_in_dim3A_705, %broadcast_in_dim3A_706 : vector<2048xi1>, vector<2048xf32>
    %broadcast_in_dim3A_708 = vector.shape_cast %select_n3A_707 : vector<2048xf32> to vector<1x2048xf32>
    %jit3A_709 = arith.constant -1.000000e+00 : f32
    %broadcast_in_dim3A_710 = vector.broadcast %jit3A_709 : f32 to vector<2048xf32>
    %select_n3A_711 = arith.select %eq3A_702, %broadcast_in_dim3A_710, %select_n3A_685 : vector<2048xi1>, vector<2048xf32>
    %reduce_max3A_712 = vector.shape_cast %select_n3A_711 : vector<2048xf32> to vector<1x2048xf32>
    %reduce_max3A_713 = arith.constant dense<0xFF800000> : vector<1xf32>
    %reduce_max3A_714 = vector.multi_reduction <maximumf>, %reduce_max3A_712, %reduce_max3A_713 [1] : vector<1x2048xf32> to vector<1xf32>
    %reduce_max3A_715 = vector.shape_cast %reduce_max3A_714 : vector<1xf32> to vector<1x1xf32>
    %reduce_max3A_716 = vector.extract %reduce_max3A_715[0, 0] : f32 from vector<1x1xf32>
    %eq3A_717 = vector.broadcast %reduce_max3A_716 : f32 to vector<2048xf32>
    %eq3A_718 = arith.cmpf oeq, %select_n3A_711, %eq3A_717 : vector<2048xf32>
    %jit3A_719 = arith.constant 2048 : i32
    %broadcast_in_dim3A_720 = vector.broadcast %jit3A_719 : i32 to vector<2048xi32>
    %select_n3A_721 = arith.select %eq3A_718, %iota3A_426, %broadcast_in_dim3A_720 : vector<2048xi1>, vector<2048xi32>
    %reduce_min3A_722 = vector.shape_cast %select_n3A_721 : vector<2048xi32> to vector<1x2048xi32>
    %reduce_min3A_723 = arith.constant dense<2147483647> : vector<1xi32>
    %reduce_min3A_724 = vector.multi_reduction <minsi>, %reduce_min3A_722, %reduce_min3A_723 [1] : vector<1x2048xi32> to vector<1xi32>
    %reduce_min3A_725 = vector.shape_cast %reduce_min3A_724 : vector<1xi32> to vector<1x1xi32>
    %reduce_min3A_726 = vector.extract %reduce_min3A_725[0, 0] : i32 from vector<1x1xi32>
    %eq3A_727 = vector.broadcast %reduce_min3A_726 : i32 to vector<2048xi32>
    %eq3A_728 = arith.cmpi eq, %iota3A_426, %eq3A_727 : vector<2048xi32>
    %jit3A_729 = arith.constant 1.000000e+00 : f32
    %jit3A_730 = arith.constant 0.000000e+00 : f32
    %broadcast_in_dim3A_731 = vector.broadcast %jit3A_729 : f32 to vector<2048xf32>
    %broadcast_in_dim3A_732 = vector.broadcast %jit3A_730 : f32 to vector<2048xf32>
    %select_n3A_733 = arith.select %eq3A_728, %broadcast_in_dim3A_731, %broadcast_in_dim3A_732 : vector<2048xi1>, vector<2048xf32>
    %broadcast_in_dim3A_734 = vector.shape_cast %select_n3A_733 : vector<2048xf32> to vector<1x2048xf32>
    %jit3A_735 = arith.constant -1.000000e+00 : f32
    %broadcast_in_dim3A_736 = vector.broadcast %jit3A_735 : f32 to vector<2048xf32>
    %select_n3A_737 = arith.select %eq3A_728, %broadcast_in_dim3A_736, %select_n3A_711 : vector<2048xi1>, vector<2048xf32>
    %reduce_max3A_738 = vector.shape_cast %select_n3A_737 : vector<2048xf32> to vector<1x2048xf32>
    %reduce_max3A_739 = arith.constant dense<0xFF800000> : vector<1xf32>
    %reduce_max3A_740 = vector.multi_reduction <maximumf>, %reduce_max3A_738, %reduce_max3A_739 [1] : vector<1x2048xf32> to vector<1xf32>
    %reduce_max3A_741 = vector.shape_cast %reduce_max3A_740 : vector<1xf32> to vector<1x1xf32>
    %reduce_max3A_742 = vector.extract %reduce_max3A_741[0, 0] : f32 from vector<1x1xf32>
    %eq3A_743 = vector.broadcast %reduce_max3A_742 : f32 to vector<2048xf32>
    %eq3A_744 = arith.cmpf oeq, %select_n3A_737, %eq3A_743 : vector<2048xf32>
    %jit3A_745 = arith.constant 2048 : i32
    %broadcast_in_dim3A_746 = vector.broadcast %jit3A_745 : i32 to vector<2048xi32>
    %select_n3A_747 = arith.select %eq3A_744, %iota3A_426, %broadcast_in_dim3A_746 : vector<2048xi1>, vector<2048xi32>
    %reduce_min3A_748 = vector.shape_cast %select_n3A_747 : vector<2048xi32> to vector<1x2048xi32>
    %reduce_min3A_749 = arith.constant dense<2147483647> : vector<1xi32>
    %reduce_min3A_750 = vector.multi_reduction <minsi>, %reduce_min3A_748, %reduce_min3A_749 [1] : vector<1x2048xi32> to vector<1xi32>
    %reduce_min3A_751 = vector.shape_cast %reduce_min3A_750 : vector<1xi32> to vector<1x1xi32>
    %reduce_min3A_752 = vector.extract %reduce_min3A_751[0, 0] : i32 from vector<1x1xi32>
    %eq3A_753 = vector.broadcast %reduce_min3A_752 : i32 to vector<2048xi32>
    %eq3A_754 = arith.cmpi eq, %iota3A_426, %eq3A_753 : vector<2048xi32>
    %jit3A_755 = arith.constant 1.000000e+00 : f32
    %jit3A_756 = arith.constant 0.000000e+00 : f32
    %broadcast_in_dim3A_757 = vector.broadcast %jit3A_755 : f32 to vector<2048xf32>
    %broadcast_in_dim3A_758 = vector.broadcast %jit3A_756 : f32 to vector<2048xf32>
    %select_n3A_759 = arith.select %eq3A_754, %broadcast_in_dim3A_757, %broadcast_in_dim3A_758 : vector<2048xi1>, vector<2048xf32>
    %broadcast_in_dim3A_760 = vector.shape_cast %select_n3A_759 : vector<2048xf32> to vector<1x2048xf32>
    %jit3A_761 = arith.constant -1.000000e+00 : f32
    %broadcast_in_dim3A_762 = vector.broadcast %jit3A_761 : f32 to vector<2048xf32>
    %select_n3A_763 = arith.select %eq3A_754, %broadcast_in_dim3A_762, %select_n3A_737 : vector<2048xi1>, vector<2048xf32>
    %reduce_max3A_764 = vector.shape_cast %select_n3A_763 : vector<2048xf32> to vector<1x2048xf32>
    %reduce_max3A_765 = arith.constant dense<0xFF800000> : vector<1xf32>
    %reduce_max3A_766 = vector.multi_reduction <maximumf>, %reduce_max3A_764, %reduce_max3A_765 [1] : vector<1x2048xf32> to vector<1xf32>
    %reduce_max3A_767 = vector.shape_cast %reduce_max3A_766 : vector<1xf32> to vector<1x1xf32>
    %reduce_max3A_768 = vector.extract %reduce_max3A_767[0, 0] : f32 from vector<1x1xf32>
    %eq3A_769 = vector.broadcast %reduce_max3A_768 : f32 to vector<2048xf32>
    %eq3A_770 = arith.cmpf oeq, %select_n3A_763, %eq3A_769 : vector<2048xf32>
    %jit3A_771 = arith.constant 2048 : i32
    %broadcast_in_dim3A_772 = vector.broadcast %jit3A_771 : i32 to vector<2048xi32>
    %select_n3A_773 = arith.select %eq3A_770, %iota3A_426, %broadcast_in_dim3A_772 : vector<2048xi1>, vector<2048xi32>
    %reduce_min3A_774 = vector.shape_cast %select_n3A_773 : vector<2048xi32> to vector<1x2048xi32>
    %reduce_min3A_775 = arith.constant dense<2147483647> : vector<1xi32>
    %reduce_min3A_776 = vector.multi_reduction <minsi>, %reduce_min3A_774, %reduce_min3A_775 [1] : vector<1x2048xi32> to vector<1xi32>
    %reduce_min3A_777 = vector.shape_cast %reduce_min3A_776 : vector<1xi32> to vector<1x1xi32>
    %reduce_min3A_778 = vector.extract %reduce_min3A_777[0, 0] : i32 from vector<1x1xi32>
    %eq3A_779 = vector.broadcast %reduce_min3A_778 : i32 to vector<2048xi32>
    %eq3A_780 = arith.cmpi eq, %iota3A_426, %eq3A_779 : vector<2048xi32>
    %jit3A_781 = arith.constant 1.000000e+00 : f32
    %jit3A_782 = arith.constant 0.000000e+00 : f32
    %broadcast_in_dim3A_783 = vector.broadcast %jit3A_781 : f32 to vector<2048xf32>
    %broadcast_in_dim3A_784 = vector.broadcast %jit3A_782 : f32 to vector<2048xf32>
    %select_n3A_785 = arith.select %eq3A_780, %broadcast_in_dim3A_783, %broadcast_in_dim3A_784 : vector<2048xi1>, vector<2048xf32>
    %broadcast_in_dim3A_786 = vector.shape_cast %select_n3A_785 : vector<2048xf32> to vector<1x2048xf32>
    %jit3A_787 = arith.constant -1.000000e+00 : f32
    %broadcast_in_dim3A_788 = vector.broadcast %jit3A_787 : f32 to vector<2048xf32>
    %select_n3A_789 = arith.select %eq3A_780, %broadcast_in_dim3A_788, %select_n3A_763 : vector<2048xi1>, vector<2048xf32>
    %reduce_max3A_790 = vector.shape_cast %select_n3A_789 : vector<2048xf32> to vector<1x2048xf32>
    %reduce_max3A_791 = arith.constant dense<0xFF800000> : vector<1xf32>
    %reduce_max3A_792 = vector.multi_reduction <maximumf>, %reduce_max3A_790, %reduce_max3A_791 [1] : vector<1x2048xf32> to vector<1xf32>
    %reduce_max3A_793 = vector.shape_cast %reduce_max3A_792 : vector<1xf32> to vector<1x1xf32>
    %reduce_max3A_794 = vector.extract %reduce_max3A_793[0, 0] : f32 from vector<1x1xf32>
    %eq3A_795 = vector.broadcast %reduce_max3A_794 : f32 to vector<2048xf32>
    %eq3A_796 = arith.cmpf oeq, %select_n3A_789, %eq3A_795 : vector<2048xf32>
    %jit3A_797 = arith.constant 2048 : i32
    %broadcast_in_dim3A_798 = vector.broadcast %jit3A_797 : i32 to vector<2048xi32>
    %select_n3A_799 = arith.select %eq3A_796, %iota3A_426, %broadcast_in_dim3A_798 : vector<2048xi1>, vector<2048xi32>
    %reduce_min3A_800 = vector.shape_cast %select_n3A_799 : vector<2048xi32> to vector<1x2048xi32>
    %reduce_min3A_801 = arith.constant dense<2147483647> : vector<1xi32>
    %reduce_min3A_802 = vector.multi_reduction <minsi>, %reduce_min3A_800, %reduce_min3A_801 [1] : vector<1x2048xi32> to vector<1xi32>
    %reduce_min3A_803 = vector.shape_cast %reduce_min3A_802 : vector<1xi32> to vector<1x1xi32>
    %reduce_min3A_804 = vector.extract %reduce_min3A_803[0, 0] : i32 from vector<1x1xi32>
    %eq3A_805 = vector.broadcast %reduce_min3A_804 : i32 to vector<2048xi32>
    %eq3A_806 = arith.cmpi eq, %iota3A_426, %eq3A_805 : vector<2048xi32>
    %jit3A_807 = arith.constant 1.000000e+00 : f32
    %jit3A_808 = arith.constant 0.000000e+00 : f32
    %broadcast_in_dim3A_809 = vector.broadcast %jit3A_807 : f32 to vector<2048xf32>
    %broadcast_in_dim3A_810 = vector.broadcast %jit3A_808 : f32 to vector<2048xf32>
    %select_n3A_811 = arith.select %eq3A_806, %broadcast_in_dim3A_809, %broadcast_in_dim3A_810 : vector<2048xi1>, vector<2048xf32>
    %broadcast_in_dim3A_812 = vector.shape_cast %select_n3A_811 : vector<2048xf32> to vector<1x2048xf32>
    %jit3A_813 = arith.constant -1.000000e+00 : f32
    %broadcast_in_dim3A_814 = vector.broadcast %jit3A_813 : f32 to vector<2048xf32>
    %select_n3A_815 = arith.select %eq3A_806, %broadcast_in_dim3A_814, %select_n3A_789 : vector<2048xi1>, vector<2048xf32>
    %reduce_max3A_816 = vector.shape_cast %select_n3A_815 : vector<2048xf32> to vector<1x2048xf32>
    %reduce_max3A_817 = arith.constant dense<0xFF800000> : vector<1xf32>
    %reduce_max3A_818 = vector.multi_reduction <maximumf>, %reduce_max3A_816, %reduce_max3A_817 [1] : vector<1x2048xf32> to vector<1xf32>
    %reduce_max3A_819 = vector.shape_cast %reduce_max3A_818 : vector<1xf32> to vector<1x1xf32>
    %reduce_max3A_820 = vector.extract %reduce_max3A_819[0, 0] : f32 from vector<1x1xf32>
    %eq3A_821 = vector.broadcast %reduce_max3A_820 : f32 to vector<2048xf32>
    %eq3A_822 = arith.cmpf oeq, %select_n3A_815, %eq3A_821 : vector<2048xf32>
    %jit3A_823 = arith.constant 2048 : i32
    %broadcast_in_dim3A_824 = vector.broadcast %jit3A_823 : i32 to vector<2048xi32>
    %select_n3A_825 = arith.select %eq3A_822, %iota3A_426, %broadcast_in_dim3A_824 : vector<2048xi1>, vector<2048xi32>
    %reduce_min3A_826 = vector.shape_cast %select_n3A_825 : vector<2048xi32> to vector<1x2048xi32>
    %reduce_min3A_827 = arith.constant dense<2147483647> : vector<1xi32>
    %reduce_min3A_828 = vector.multi_reduction <minsi>, %reduce_min3A_826, %reduce_min3A_827 [1] : vector<1x2048xi32> to vector<1xi32>
    %reduce_min3A_829 = vector.shape_cast %reduce_min3A_828 : vector<1xi32> to vector<1x1xi32>
    %reduce_min3A_830 = vector.extract %reduce_min3A_829[0, 0] : i32 from vector<1x1xi32>
    %eq3A_831 = vector.broadcast %reduce_min3A_830 : i32 to vector<2048xi32>
    %eq3A_832 = arith.cmpi eq, %iota3A_426, %eq3A_831 : vector<2048xi32>
    %jit3A_833 = arith.constant 1.000000e+00 : f32
    %jit3A_834 = arith.constant 0.000000e+00 : f32
    %broadcast_in_dim3A_835 = vector.broadcast %jit3A_833 : f32 to vector<2048xf32>
    %broadcast_in_dim3A_836 = vector.broadcast %jit3A_834 : f32 to vector<2048xf32>
    %select_n3A_837 = arith.select %eq3A_832, %broadcast_in_dim3A_835, %broadcast_in_dim3A_836 : vector<2048xi1>, vector<2048xf32>
    %broadcast_in_dim3A_838 = vector.shape_cast %select_n3A_837 : vector<2048xf32> to vector<1x2048xf32>
    %concatenate3A_839 = tpu.concatenate %broadcast_in_dim3A_448, %broadcast_in_dim3A_474, %broadcast_in_dim3A_500, %broadcast_in_dim3A_526, %broadcast_in_dim3A_552, %broadcast_in_dim3A_578, %broadcast_in_dim3A_604, %broadcast_in_dim3A_630, %broadcast_in_dim3A_656, %broadcast_in_dim3A_682, %broadcast_in_dim3A_708, %broadcast_in_dim3A_734, %broadcast_in_dim3A_760, %broadcast_in_dim3A_786, %broadcast_in_dim3A_812, %broadcast_in_dim3A_838 in 0 : vector<1x2048xf32>, vector<1x2048xf32>, vector<1x2048xf32>, vector<1x2048xf32>, vector<1x2048xf32>, vector<1x2048xf32>, vector<1x2048xf32>, vector<1x2048xf32>, vector<1x2048xf32>, vector<1x2048xf32>, vector<1x2048xf32>, vector<1x2048xf32>, vector<1x2048xf32>, vector<1x2048xf32>, vector<1x2048xf32>, vector<1x2048xf32> -> vector<16x2048xf32>
    %iota3A_840 = tpu.iota {dimensions = array<i32: 1>} : vector<1x2048xi32>
    %convert_element_type3A = arith.sitofp %iota3A_840 : vector<1x2048xi32> to vector<1x2048xf32>
    %mul3A_841 = vector.broadcast %convert_element_type3A : vector<1x2048xf32> to vector<16x2048xf32>
    %mul3A_842 = arith.mulf %concatenate3A_839, %mul3A_841 : vector<16x2048xf32>
    %reduce_sum3A_843 = arith.constant dense<0.000000e+00> : vector<16xf32>
    %reduce_sum3A_844 = vector.multi_reduction <add>, %mul3A_842, %reduce_sum3A_843 [1] : vector<16x2048xf32> to vector<16xf32>
    %convert_element_type3A_845 = arith.fptosi %reduce_sum3A_844 : vector<16xf32> to vector<16xi32>
    %mul3A_846 = arith.constant 2048 : i32
    %mul3A_847 = arith.muli %arg0, %mul3A_846 : i32
    %add3A_848 = vector.broadcast %mul3A_847 : i32 to vector<16xi32>
    %add3A_849 = arith.addi %convert_element_type3A_845, %add3A_848 : vector<16xi32>
    %swap3A_850 = arith.constant 0 : index
    %swap3A_851 = arith.constant 0 : index
    %swap3A_852 = arith.constant 0 : index
    %swap3A_853 = vector.load %arg14[%swap3A_850, %swap3A_851, %swap3A_852] : memref<1x1x16xi32, #tpu.memory_space<vmem>>, vector<1x1x16xi32>
    %swap3A_854 = vector.shape_cast %swap3A_853 : vector<1x1x16xi32> to vector<16xi32>
    %swap3A_855 = vector.shape_cast %add3A_849 : vector<16xi32> to vector<1x1x16xi32>
    tpu.vector_store %arg14[%swap3A_850, %swap3A_851, %swap3A_852], %swap3A_855 {strides = array<i32>} : memref<1x1x16xi32, #tpu.memory_space<vmem>>, vector<1x1x16xi32>,
    %broadcast_in_dim3A_856 = vector.shape_cast %sqrt3A : vector<2048xf32> to vector<2048x1xf32>
    %broadcast_in_dim3A_857 = vector.shape_cast %div3A_319 : vector<2048xf32> to vector<2048x1xf32>
    %concatenate3A_858 = tpu.concatenate %get3A_3, %broadcast_in_dim3A_856, %broadcast_in_dim3A_857 in 1 : vector<2048x16xf32>, vector<2048x1xf32>, vector<2048x1xf32> -> vector<2048x18xf32>
    %get3A_859 = arith.constant 0 : index
    %get3A_860 = arith.constant 0 : index
    %get3A_861 = vector.load %arg6[%get3A_859, %get3A_860] : memref<1x18xf32, #tpu.memory_space<vmem>>, vector<1x18xf32>
    %get3A_862 = vector.shape_cast %get3A_861 : vector<1x18xf32> to vector<18xf32>
    %broadcast_in_dim3A_863 = vector.shape_cast %get3A_862 : vector<18xf32> to vector<1x18xf32>
    %sub3A_864 = vector.broadcast %broadcast_in_dim3A_863 : vector<1x18xf32> to vector<2048x18xf32>
    %sub3A_865 = arith.subf %concatenate3A_858, %sub3A_864 : vector<2048x18xf32>
    %get3A_866 = arith.constant 0 : index
    %get3A_867 = arith.constant 0 : index
    %get3A_868 = vector.load %arg7[%get3A_866, %get3A_867] : memref<1x18xf32, #tpu.memory_space<vmem>>, vector<1x18xf32>
    %get3A_869 = vector.shape_cast %get3A_868 : vector<1x18xf32> to vector<18xf32>
    %broadcast_in_dim3A_870 = vector.shape_cast %get3A_869 : vector<18xf32> to vector<1x18xf32>
    %div3A_871 = vector.broadcast %broadcast_in_dim3A_870 : vector<1x18xf32> to vector<2048x18xf32>
    %div3A_872 = arith.divf %sub3A_865, %div3A_871 : vector<2048x18xf32>
    %get3A_873 = arith.constant 0 : index
    %get3A_874 = arith.constant 0 : index
    %get3A_875 = vector.load %arg8[%get3A_873, %get3A_874] : memref<18x16xf32, #tpu.memory_space<vmem>>, vector<18x16xf32>
    %dot_general3A_876 = arith.constant dense<0.000000e+00> : vector<2048x16xf32>
    %dot_general3A_877 = tpu.matmul %div3A_872, %get3A_875, %dot_general3A_876 {dimension_numbers = #tpu.dot_dimension_numbers<[1], [0], [0], [1], [0, 0, 1, 1], [], []>, transpose_lhs_hint = false} : vector<2048x18xf32>, vector<18x16xf32>, vector<2048x16xf32> -> vector<2048x16xf32>
    %get3A_878 = arith.constant 0 : index
    %get3A_879 = arith.constant 0 : index
    %get3A_880 = vector.load %arg9[%get3A_878, %get3A_879] : memref<1x16xf32, #tpu.memory_space<vmem>>, vector<1x16xf32>
    %get3A_881 = vector.shape_cast %get3A_880 : vector<1x16xf32> to vector<16xf32>
    %broadcast_in_dim3A_882 = vector.shape_cast %get3A_881 : vector<16xf32> to vector<1x16xf32>
    %add3A_883 = vector.broadcast %broadcast_in_dim3A_882 : vector<1x16xf32> to vector<2048x16xf32>
    %add3A_884 = arith.addf %dot_general3A_877, %add3A_883 : vector<2048x16xf32>
    %tanh3A = math.tanh %add3A_884 : vector<2048x16xf32>
    %get3A_885 = arith.constant 0 : index
    %get3A_886 = arith.constant 0 : index
    %get3A_887 = vector.load %arg10[%get3A_885, %get3A_886] : memref<16x256xf32, #tpu.memory_space<vmem>>, vector<16x256xf32>
    %dot_general3A_888 = arith.constant dense<0.000000e+00> : vector<2048x256xf32>
    %dot_general3A_889 = tpu.matmul %tanh3A, %get3A_887, %dot_general3A_888 {dimension_numbers = #tpu.dot_dimension_numbers<[1], [0], [0], [1], [0, 0, 1, 1], [], []>, transpose_lhs_hint = false} : vector<2048x16xf32>, vector<16x256xf32>, vector<2048x256xf32> -> vector<2048x256xf32>
    %get3A_890 = arith.constant 0 : index
    %get3A_891 = arith.constant 0 : index
    %get3A_892 = vector.load %arg11[%get3A_890, %get3A_891] : memref<1x256xf32, #tpu.memory_space<vmem>>, vector<1x256xf32>
    %get3A_893 = vector.shape_cast %get3A_892 : vector<1x256xf32> to vector<256xf32>
    %broadcast_in_dim3A_894 = vector.shape_cast %get3A_893 : vector<256xf32> to vector<1x256xf32>
    %add3A_895 = vector.broadcast %broadcast_in_dim3A_894 : vector<1x256xf32> to vector<2048x256xf32>
    %add3A_896 = arith.addf %dot_general3A_889, %add3A_895 : vector<2048x256xf32>
    %swap3A_897 = arith.constant 0 : index
    %swap3A_898 = arith.constant 0 : index
    %swap3A_899 = arith.constant 0 : index
    %swap3A_900 = vector.load %arg12[%swap3A_897, %swap3A_898, %swap3A_899] : memref<1x2048x256xf32, #tpu.memory_space<vmem>>, vector<1x2048x256xf32>
    %swap3A_901 = vector.shape_cast %swap3A_900 : vector<1x2048x256xf32> to vector<2048x256xf32>
    %swap3A_902 = vector.shape_cast %add3A_896 : vector<2048x256xf32> to vector<1x2048x256xf32>
    tpu.vector_store %arg12[%swap3A_897, %swap3A_898, %swap3A_899], %swap3A_902 {strides = array<i32>} : memref<1x2048x256xf32, #tpu.memory_space<vmem>>, vector<1x2048x256xf32>,
    return
  }
  func.func @transform_0(%arg0: i32) -> (i32, i32, i32) {
    %c0_i32 = arith.constant 0 : i32
    %c0_i32_0 = arith.constant 0 : i32
    %c0_i32_1 = arith.constant 0 : i32
    return %arg0, %c0_i32, %c0_i32_0 : i32, i32, i32
  }
  func.func @transform_1(%arg0: i32) -> (i32, i32) {
    %c0_i32 = arith.constant 0 : i32
    %c0_i32_0 = arith.constant 0 : i32
    %c0_i32_1 = arith.constant 0 : i32
    return %c0_i32, %c0_i32_0 : i32, i32
  }
  func.func @transform_2(%arg0: i32) -> (i32, i32) {
    %c0_i32 = arith.constant 0 : i32
    %c0_i32_0 = arith.constant 0 : i32
    %c0_i32_1 = arith.constant 0 : i32
    return %c0_i32, %c0_i32_0 : i32, i32
  }
  func.func @transform_3(%arg0: i32) -> (i32, i32) {
    %c0_i32 = arith.constant 0 : i32
    %c0_i32_0 = arith.constant 0 : i32
    %c0_i32_1 = arith.constant 0 : i32
    return %c0_i32, %c0_i32_0 : i32, i32
  }
  func.func @transform_4(%arg0: i32) -> (i32, i32) {
    %c0_i32 = arith.constant 0 : i32
    %c0_i32_0 = arith.constant 0 : i32
    %c0_i32_1 = arith.constant 0 : i32
    return %c0_i32, %c0_i32_0 : i32, i32
  }
  func.func @transform_5(%arg0: i32) -> (i32, i32) {
    %c0_i32 = arith.constant 0 : i32
    %c0_i32_0 = arith.constant 0 : i32
    %c0_i32_1 = arith.constant 0 : i32
    return %c0_i32, %c0_i32_0 : i32, i32
  }
  func.func @transform_6(%arg0: i32) -> (i32, i32) {
    %c0_i32 = arith.constant 0 : i32
    %c0_i32_0 = arith.constant 0 : i32
    %c0_i32_1 = arith.constant 0 : i32
    return %c0_i32, %c0_i32_0 : i32, i32
  }
  func.func @transform_7(%arg0: i32) -> (i32, i32) {
    %c0_i32 = arith.constant 0 : i32
    %c0_i32_0 = arith.constant 0 : i32
    %c0_i32_1 = arith.constant 0 : i32
    return %c0_i32, %c0_i32_0 : i32, i32
  }
  func.func @transform_8(%arg0: i32) -> (i32, i32) {
    %c0_i32 = arith.constant 0 : i32
    %c0_i32_0 = arith.constant 0 : i32
    %c0_i32_1 = arith.constant 0 : i32
    return %c0_i32, %c0_i32_0 : i32, i32
  }
  func.func @transform_9(%arg0: i32) -> (i32, i32) {
    %c0_i32 = arith.constant 0 : i32
    %c0_i32_0 = arith.constant 0 : i32
    %c0_i32_1 = arith.constant 0 : i32
    return %c0_i32, %c0_i32_0 : i32, i32
  }
  func.func @transform_10(%arg0: i32) -> (i32, i32) {
    %c0_i32 = arith.constant 0 : i32
    %c0_i32_0 = arith.constant 0 : i32
    %c0_i32_1 = arith.constant 0 : i32
    return %c0_i32, %c0_i32_0 : i32, i32
  }
  func.func @transform_11(%arg0: i32) -> (i32, i32, i32) {
    %c0_i32 = arith.constant 0 : i32
    %c0_i32_0 = arith.constant 0 : i32
    %c0_i32_1 = arith.constant 0 : i32
    return %arg0, %c0_i32, %c0_i32_0 : i32, i32, i32
  }
  func.func @transform_12(%arg0: i32) -> (i32, i32, i32) {
    %c0_i32 = arith.constant 0 : i32
    %c0_i32_0 = arith.constant 0 : i32
    %c0_i32_1 = arith.constant 0 : i32
    return %arg0, %c0_i32, %c0_i32_0 : i32, i32, i32
  }
  func.func @transform_13(%arg0: i32) -> (i32, i32, i32) {
    %c0_i32 = arith.constant 0 : i32
    %c0_i32_0 = arith.constant 0 : i32
    %c0_i32_1 = arith.constant 0 : i32
    return %arg0, %c0_i32, %c0_i32_0 : i32, i32, i32
  }
}

</mosaic_0001>

<sc_bundles>
// kernel: kernel.4.cloned.1.call-start
scs
__scs_entry_jumppad:
0x0: {  	(pc) =	sbr.rel $0x88, $3  }
0x1: {  	(tag) =	ssettag $0x0;
	lr =	simm.s32 $0x1  }
0x2: {  	[smem:$0x3F95] =	sst lr;
	_ =	strace $0xD0000000  }
0x3: {  	_ = 	snop  }
0x4: {  	_ = 	snop  }
0x5: {  	_ = 	snop  }
0x6: {  	_ = 	snop  }
0x7: {  	_ = 	snop  }
__scs_overlays_trampoline_lowered:
0x8: {  	[smem:$0x3FA4] =	sst s0  }
0x9: {  	[smem:$0x3FA5] =	sst s1  }
0xa: {  	[smem:$0x3FA6] =	sst s2  }
0xb: {  	[smem:$0x3FA7] =	sst s3  }
0xc: {  	[smem:$0x3FA8] =	sst s4  }
0xd: {  	[smem:$0x3FA9] =	sst s5  }
0xe: {  	[smem:$0x3FAA] =	sst s6  }
0xf: {  	[smem:$0x3FAB] =	sst s7  }
0x10: {  	[smem:$0x3FAC] =	sst s8  }
0x11: {  	[smem:$0x3FAD] =	sst s9;
	s0 =	simm.s32 @!p0 $0x0  }
0x12: {  	s1 =	sld [smem:$0x3F93];
	s0 =	simm.s32 @p0 $0x1  }
0x13: {  	[smem:$0x3FAE] =	sst s0;
	s0 =	simm.s32 @!p1 $0x0  }
0x14: {  	s2 =	sld [smem:$0x3F92];
	s0 =	simm.s32 @p1 $0x1  }
0x15: {  	[smem:$0x3FAF] =	sst s0;
	s0 =	simm.s32 @!p2 $0x0  }
0x16: {  	s3 =	sld [smem:$0x3FDB];
	s0 =	simm.s32 @p2 $0x1  }
0x17: {  	s4 =	simm.s32 $0x1BF5;
	[smem:$0x3FB1] =	sst s0  }
0x18: {  	s0 =	sld [smem:$0x3F94];
	_ =	swait.ge [sflag:s4], $0x0  }
0x19: {  	s7 =	sld [smem:$0x3F95]  }
0x1a: {  	s8 =	sadd.s32 $0xFFFFE003, lr  }
0x1b: {  	s9 =	sadd.s32 $0xFFFFFEF7, lr;
	s5 =	simm.s32 $0xFFFFFFFF;
	p2 =	slt.u32 s8, $0xFFFFF086  }
0x1c: {  	p1 =	slt.u32 s9, $0xF7A;
	s5 =	simm.s32 @!p2 $0x0  }
0x1d: {  	s5 =	simm.s32 @p1 $0x1;
	p0 =	seq.s32 s7, s2  }
0x1e: {  	s7 =	smul.u32 @!p0 $0xF7A, s2;
	p2 =	seq.s32 @!p0 s5, $0x0  }
0x1f: {  	s9 =	smul.u32 $0xF7A, s1;
	s8 =	simm.s32 @!p0 $0x1BF5;
	p2 =	por !p2, p0  }
0x20: {  	[sflag:s8] =	ssyncset.s32 @!p0 $0xFFFFF086;
	s6 =	sadd.s32 @!p0 s3, s7;
	s7 =	simm.s32 @!p0 $0x108  }
0x21: {  	s3 =	sadd.s32 s3, s9;
	s6 =	sadd.s32 @!p0 $0x88, s6;
	s7 =	simm.s32 @p2 $0x1082  }
0x22: {  	[simem:s7], [sflag:s8] =	dma.local @!p0 [hbm:s6], $0xF7A  }
0x23: {  	s9 =	sor.u32 $0xD0000000, s2;
	s6 =	simm.s32 $0x108;
	_ =	swait.ge @!p0 [sflag:s8], $0x0  }
0x24: {  	s3 =	sadd.s32 $0x88, s3;
	s6 =	simm.s32 @!p1 $0x1082;
	[sflag:s4] =	ssyncset.s32 $0xFFFFF086  }
0x25: {  	[simem:s6], [sflag:s4] =	dma.local [hbm:s3], $0xF7A  }
0x26: {  	[smem:$0x3F95] =	sst s1;
	(tag) =	ssettag s2;
	_ =	strace s9  }
0x27: {  	s1 =	sld [smem:$0x3FA5]  }
0x28: {  	s2 =	sld [smem:$0x3FA6]  }
0x29: {  	s4 =	sld [smem:$0x3FA8]  }
0x2a: {  	p0 =	seq.s32 s5, $0x0;
	s5 =	sld [smem:$0x3FA9]  }
0x2b: {  	s6 =	sld [smem:$0x3FAA]  }
0x2c: {  	s7 =	sld [smem:$0x3FAB]  }
0x2d: {  	s3 =	simm.s32 $0x108;
	s8 =	sld [smem:$0x3FAC]  }
0x2e: {  	s3 =	simm.s32 @!p0 $0x1082;
	s9 =	sld [smem:$0x3FAD]  }
0x2f: {  	lr =	sadd.s32 s0, s3;
	s0 =	sld [smem:$0x3FA4]  }
0x30: {  	s3 =	sld [smem:$0x3FA7]  }
0x31: {  	[smem:$0x3FB0] =	sst s10  }
0x32: {  	s10 =	sld [smem:$0x3FAE];
	_ =	sdelay $0x3  }
0x33: {  	p0 =	seq.s32 s10, $0x1;
	s10 =	sld [smem:$0x3FB0];
	_ =	sdelay $0x3  }
0x34: {  	[smem:$0x3FB0] =	sst s10  }
0x35: {  	s10 =	sld [smem:$0x3FAF];
	_ =	sdelay $0x3  }
0x36: {  	p1 =	seq.s32 s10, $0x1;
	s10 =	sld [smem:$0x3FB0];
	_ =	sdelay $0x3  }
0x37: {  	[smem:$0x3FB0] =	sst s10  }
0x38: {  	s10 =	sld [smem:$0x3FB1]  }
0x39: {  	_ = 	snop;
	(pc) =	sbr.ind lr, $3  }
0x3a: {  	_ = 	snop  }
0x3b: {  	_ = 	snop  }
0x3c: {  	p2 =	seq.s32 s10, $0x1;
	s10 =	sld [smem:$0x3FB0]  }
0x3d: {  	_ =	shalt  }
0x3e: {  	_ =	shalt  }
0x3f: {  	_ =	shalt  }
0x40: {  	_ =	shalt  }
0x41: {  	_ =	shalt  }
0x42: {  	_ =	shalt  }
0x43: {  	_ =	shalt  }
0x44: {  	_ =	shalt  }
0x45: {  	_ =	shalt  }
0x46: {  	_ =	shalt  }
0x47: {  	_ =	shalt  }
0x48: {  	_ =	shalt  }
0x49: {  	_ =	shalt  }
0x4a: {  	_ =	shalt  }
0x4b: {  	_ =	shalt  }
0x4c: {  	_ =	shalt  }
0x4d: {  	_ =	shalt  }
0x4e: {  	_ =	shalt  }
0x4f: {  	_ =	shalt  }
0x50: {  	_ =	shalt  }
0x51: {  	_ =	shalt  }
0x52: {  	_ =	shalt  }
0x53: {  	_ =	shalt  }
0x54: {  	_ =	shalt  }
0x55: {  	_ =	shalt  }
0x56: {  	_ =	shalt  }
0x57: {  	_ =	shalt  }
0x58: {  	_ =	shalt  }
0x59: {  	_ =	shalt  }
0x5a: {  	_ =	shalt  }
0x5b: {  	_ =	shalt  }
0x5c: {  	_ =	shalt  }
0x5d: {  	_ =	shalt  }
0x5e: {  	_ =	shalt  }
0x5f: {  	_ =	shalt  }
0x60: {  	_ =	shalt  }
0x61: {  	_ =	shalt  }
0x62: {  	_ =	shalt  }
0x63: {  	_ =	shalt  }
0x64: {  	_ =	shalt  }
0x65: {  	_ =	shalt  }
0x66: {  	_ =	shalt  }
0x67: {  	_ =	shalt  }
0x68: {  	_ =	shalt  }
0x69: {  	_ =	shalt  }
0x6a: {  	_ =	shalt  }
0x6b: {  	_ =	shalt  }
0x6c: {  	_ =	shalt  }
0x6d: {  	_ =	shalt  }
0x6e: {  	_ =	shalt  }
0x6f: {  	_ =	shalt  }
0x70: {  	_ =	shalt  }
0x71: {  	_ =	shalt  }
0x72: {  	_ =	shalt  }
0x73: {  	_ =	shalt  }
0x74: {  	_ =	shalt  }
0x75: {  	_ =	shalt  }
0x76: {  	_ =	shalt  }
0x77: {  	_ =	shalt  }
0x78: {  	_ =	shalt  }
0x79: {  	_ =	shalt  }
0x7a: {  	_ =	shalt  }
0x7b: {  	_ =	shalt  }
0x7c: {  	_ =	shalt  }
0x7d: {  	_ =	shalt  }
0x7e: {  	_ =	shalt  }
0x7f: {  	_ =	shalt  }
0x80: {  	_ =	shalt  }
0x81: {  	_ =	shalt  }
0x82: {  	_ =	shalt  }
0x83: {  	_ =	shalt  }
0x84: {  	_ =	shalt  }
0x85: {  	_ =	shalt  }
0x86: {  	_ =	shalt  }
0x87: {  	_ =	shalt  }
.Lfunc_end0:
.L_simem_size_0:
called_computation_lowered:
.L_overlay_start_0:
0x88: {  	s2 =	sld [smem:$0x3FD9]  }
0x89: {  	s3 =	sld [smem:$0x3FFE];
	_ =	sdelay $0x1  }
0x8a: {  	s1 =	srdreg.scid  }
0x8b: {  	s0 =	sand.u32 $0x1, s1  }
0x8c: {  	s14 =	sshll.u32 s0, $0xA;
	s2 =	sadd.s32 s3, s2  }
0x8d: {  	s2 =	sadd.s32 s2, s14  }
0x8e: {  	[smem:$0x3FBC] =	sst s2  }
0x8f: {  	_ = 	snop  }
0x90: {  	s2 =	sld [smem:$0x3FD0];
	_ =	sdelay $0x2  }
0x91: {  	s15 =	simm.s32 $0xA;
	s4 =	simm.s32 $0x10  }
0x92: {  	[smem:s4], [sflag:s15] =	dma.local [hbm:s2], $0x1  }
0x93: {  	_ =	swait.eq [sflag:s15], $0x1  }
0x94: {  	[sflag:s15] =	ssyncset.done $0x0  }
0x95: {  	[sflag:s15] =	ssyncadd.s32 $0xFFFFFFFF  }
0x96: {  	s16 =	sld [smem:$0x10];
	(tm) =	ssettm $0x1  }
0x97: {  	s17 =	sld [smem:$0x3FFB];
	_ =	sdelay $0x3  }
0x98: {  	_ =	strace s17  }
0x99: {  	s3 =	sld [smem:$0x3FFC];
	_ =	sdelay $0x3  }
0x9a: {  	_ =	strace s3  }
0x9b: {  	s3 =	sld [smem:$0x3FFD];
	_ =	sdelay $0x3  }
0x9c: {  	_ =	strace s3  }
0x9d: {  	_ =	strace $0x8FFFFFFF  }
0x9e: {  	s18 =	sld [smem:$0x3FDB];
	_ =	sdelay $0x1  }
0x9f: {  	s19 =	simm.s32 $_scs_section_size  }
0xa0: {  	s5 =	simm.s32 $_size__tile_overlayer_lowered;
	s6 =	simm.s32 $_tile_overlayer_lowered  }
0xa1: {  	s22 =	simm.s32 $0x1BFF;
	s21 =	sshll.u32 s6, $0x1;
	s3 =	sadd.s32 s19, s18  }
0xa2: {  	s7 =	simm.s32 $0x0;
	s20 =	sshll.u32 s5, $0x1;
	s5 =	sadd.s32 s21, s3  }
0xa3: {  	[timem:s7], [sflag:s22] =	dma.local [hbm:s5], s20  }
0xa4: {  	_ =	swait.ge [sflag:s22], s20  }
0xa5: {  	s4 =	ssub.s32 $0x0, s20;
	[sflag:s22] =	ssyncset.done $0x0  }
0xa6: {  	[sflag:s22] =	ssyncadd.s32 s4;
	_ =	sdelay $0x1  }
0xa7: {  	s23 =	simm.s32 $0x1B8B  }
0xa8: {  	_ =	swait.ge [sflag:s23], $0x1  }
0xa9: {  	[sflag:s23] =	ssyncset.done $0x0  }
0xaa: {  	s25 =	simm.s32 $0x1B8E;
	s24 =	sld [smem:$0x3FFE];
	[sflag:s23] =	ssyncadd.s32 $0xFFFFFFFF  }
0xab: {  	s26 =	simm.s32 $execute0_lowered;
	[smem:$0x3FD2] =	sst s25  }
0xac: {  	s5 =	sshll.u32 s26, $0x1;
	_ =	strace $0x80000046;
	[dreg:$0x1] =	wrdreg $0xFFFFFFFF  }
0xad: {  	s28 =	simm.s32 $_size_execute0_lowered;
	s3 =	sadd.s32 s3, s5;
	[dreg:$0x0] =	wrdreg $0x0  }
0xae: {  	s5 =	sshll.u32 s28, $0x1;
	[dreg:$0x2] =	wrdreg s3  }
0xaf: {  	[dreg:$0x3] =	wrdreg s5  }
0xb0: {  	[dreg:$0x4] =	wrdreg $0xC0  }
0xb1: {  	_ =	task [dreg:s7], $0x5FFFF  }
0xb2: {  	[dreg:$0x1] =	wrdreg $0xFFFFFFFF  }
0xb3: {  	[dreg:$0x0] =	wrdreg $0x60  }
0xb4: {  	[dreg:$0x2] =	wrdreg s24  }
0xb5: {  	[dreg:$0x3] =	wrdreg s16  }
0xb6: {  	[dreg:$0x4] =	wrdreg $0x9  }
0xb7: {  	_ =	task.clear_ibuf [dreg:s7], $0x5FFFF;
	_ =	strace $0x90000046  }
0xb8: {  	s29 =	simm.s32 $0x9;
	_ =	strace $0x80000048  }
0xb9: {  	_ =	swait.ge [sflag:s29], $0x1  }
0xba: {  	[sflag:s29] =	ssyncadd.s32 $0xFFFFFFFF  }
0xbb: {  	_ =	strace $0x90000048  }
0xbc: {  	_ =	sfence  }
0xbd: {  	s30 =	sld [smem:$0x0];
	_ =	sdelay $0x2  }
0xbe: {  	s31 =	sshll.u32 s1, $0xD;
	s1 =	sshrl.u32 s1, $0x2  }
0xbf: {  	s3 =	sand.u32 $0x4000, s31;
	s1 =	sadd.s32 s1, s30  }
0xc0: {  	s0 =	sor.u32 s3, s0;
	s1 =	sshll.u32 s1, $0x11  }
0xc1: {  	s0 =	sor.u32 s1, s0  }
0xc2: {  	s0 =	sadd.s32 $0x8F2B, s0  }
0xc3: {  	[sflag:s0] =	ssyncadd.remote.s32 $0x1  }
0xc4: {  	_ =	sfence.sel $0xFFFF  }
0xc5: {  	[dreg:$0x0] =	wrdreg $0xFFFFFFFF;
	(pc) =	sbr.abs _section_cstart, $3  }
0xc6: {  	[dreg:$0x1] =	wrdreg $0xFFFFFFFF  }
0xc7: {  	_ =	task.clear_ibuf [dreg:s7], $0x2FFFF;
	_ =	strace $0x9FFFFFFF  }
0xc8: {  	(tm) =	ssettm $0x7FFFFFFF  }
0xc9: {  	_ =	shalt  }
tec
execute0_lowered:
.L_overlay_start_1:
0x0: {  	(tag) =	ssettag $0x1  }
0x1: {  	s1 =	stileid.u32  }
0x2: {  	p0 =	sgt.u32 s1, $0x3  }
.Ltmp0:
0x3: {  	_ = 	snop;
	(pc) =	sbr.rel @p0 .LBB2_4-.Ltmp0, $4  }
0x4: {  	s5 =	rddreg [dreg:$0x0]  }
0x5: {  	s8 =	rddreg [dreg:$0x1];
	s2 =	simm.s32 $0x0  }
0x6: {  	[smem:$0x7FF] =	sst s2  }
0x7: {  	s0 =	rddreg [dreg:$0x2];
	_ =	strace $0x80000047  }
0x8: {  	s3 =	srdreg.scid  }
0x9: {  	s30 =	sshll.u32 s1, $0x1;
	s6 =	sand.u32 $0x1, s3  }
0xa: {  	s4 =	sadd.s32 $0x41200, s5;
	s9 =	sor.u32 s6, s30  }
0xb: {  	s3 =	simm.s32 $0x2;
	s4 =	sadd.s32 s4, s9  }
0xc: {  	[tilespmem:s2], [sflag:$0x2] =	stream.linear.gather [hbm4b:s4+s2], $0x8, $0x38;
	[tilespmem:$0x880] =	vst v63  }
0xd: {  	_ =	swait.ge [sflag:s3], $0x8  }
0xe: {  	[sflag:s3] =	ssyncset.done $0x0  }
0xf: {  	[sflag:s3] =	ssyncadd.s32 $0xFFFFFFF8  }
0x10: {  	v0 =	vld.msk [tilespmem:$0x0], $0xff;
	_ =	sdelay $0x4  }
0x11: {  	v1 =	vshll.u32 v0, $0x1  }
0x12: {  	v2 =	vlaneseq.u32;
	v3 =	vand.u32 $0x7, v0;
	v1 =	vand.u32 $0xFFFFFFF0, v1  }
0x13: {  	v0 =	vand.u32 $0x7, v2;
	v2 =	vshrl.u32 v2, $0x3;
	v3 =	vor.u32 v3, v1  }
0x14: {  	v1 =	vmul.u32 $0x8, v2;
	v2 =	vperm.xlane v3, v0;
	_ =	sdelay $0x1  }
0x15: {  	v2 =	vadd.s32 v1, v2  }
0x16: {  	s10 =	ssub.s32 $0x2, s6  }
0x17: {  	s11 =	sshrl.u32 s10, $0x1  }
0x18: {  	s5 =	sadd.s32 $0x1200, s5;
	s10 =	ssub.s32 s10, s11  }
0x19: {  	vm0 =	vmmov $0xffff;
	s7 =	simm.s32 $0x1;
	s6 =	simm.s32 $0x80;
	s31 =	smax.u32 s10, $0x1  }
0x1a: {  	[tilespmem:s6], [sflag:$0x1] =	stream.indirect_vreg.gather [hbm4b:s5+s2], $0x80, v2, vm0, $0xb8;
	[tilespmem:$0x880] =	vst v63  }
0x1b: {  	p0 =	sne.s32 s31, $0x1;
	_ =	swait.ge [sflag:s7], $0x800  }
.Ltmp1:
0x1c: {  	s9 =	sshll.u32 s9, $0x8;
	[sflag:s7] =	ssyncset.done $0x0;
	(pc) =	sbr.rel @!p0 .LBB2_3-.Ltmp1, $4  }
0x1d: {  	s8 =	sadd.s32 s8, s9;
	[sflag:s7] =	ssyncadd.s32 $0xFFFFF800  }
0x1e: {  	[hbm4b:s8+s2] =	stream.linear.scatter [tilespmem:s6], [sflag:$0x2], $0x800, $0x38;
	[tilespmem:$0x880] =	vst v63  }
0x1f: {  	_ =	swait.ge [sflag:s3], $0x800  }
0x20: {  	s9 =	sadd.s32 $0xFFFFFFFF, s31;
	[sflag:s3] =	ssyncset.done $0x0  }
.LBB2_2:
0x21: {  	p0 =	sne.s32 s9, $0x1;
	s9 =	sadd.s32 $0xFFFFFFFF, s9;
	[sflag:s3] =	ssyncadd.s32 $0xFFFFF800  }
0x22: {  	[tilespmem:s2], [sflag:$0x2] =	stream.linear.gather [hbm4b:s4+s2], $0x8, $0x38;
	[tilespmem:$0x880] =	vst v63  }
0x23: {  	_ =	swait.ge [sflag:s3], $0x8  }
0x24: {  	[sflag:s3] =	ssyncset.done $0x0  }
0x25: {  	[sflag:s3] =	ssyncadd.s32 $0xFFFFFFF8  }
0x26: {  	v2 =	vld.msk [tilespmem:$0x0], $0xff;
	_ =	sdelay $0x4  }
0x27: {  	v3 =	vshll.u32 v2, $0x1  }
0x28: {  	v2 =	vand.u32 $0x7, v2;
	v3 =	vand.u32 $0xFFFFFFF0, v3  }
0x29: {  	v2 =	vor.u32 v2, v3  }
0x2a: {  	v2 =	vperm.xlane v2, v0;
	_ =	sdelay $0x1  }
0x2b: {  	v2 =	vadd.s32 v1, v2;
	_ =	sdelay $0x4  }
0x2c: {  	[tilespmem:s6], [sflag:$0x1] =	stream.indirect_vreg.gather [hbm4b:s5+s2], $0x80, v2, vm0, $0xb8;
	[tilespmem:$0x880] =	vst v63  }
0x2d: {  	_ =	swait.ge [sflag:s7], $0x800  }
.Ltmp2:
0x2e: {  	[sflag:s7] =	ssyncset.done $0x0;
	(pc) =	sbr.rel @p0 .LBB2_2-.Ltmp2, $4  }
0x2f: {  	[sflag:s7] =	ssyncadd.s32 $0xFFFFF800  }
0x30: {  	[hbm4b:s8+s2] =	stream.linear.scatter [tilespmem:s6], [sflag:$0x2], $0x800, $0x38;
	[tilespmem:$0x880] =	vst v63  }
0x31: {  	_ =	swait.ge [sflag:s3], $0x800  }
0x32: {  	[sflag:s3] =	ssyncset.done $0x0  }
.LBB2_3:
0x33: {  	[sflag:s3] =	ssyncadd.s32 $0xFFFFF800  }
.LBB2_4:
0x34: {  	_ =	sfence.sel $0x180000  }
0x35: {  	[bflag:$0x0] =	sbarrier.arrive $0xFFFF  }
0x36: {  	p0 =	sne.s32 s1, $0x0;
	_ =	strace $0x90000047  }
0x37: {  	s0 =	sadd.s32 @!p0 $0x100000, s0;
	[bflag:$0x2] =	sbarrier.arrive $0xFFFF  }
0x38: {  	[sflag:s0] =	ssyncadd.tile.s32 @!p0 $0x1;
	_ =	shalt  }
.Lfunc_end2:
_tile_overlayer_lowered:
.L_overlay_start_2:
0x39: {  	(tag) =	ssettag $0x2  }
0x3a: {  	s0 =	rddreg [dreg:$0x0];
	s2 =	stileid.u32  }
0x3b: {  	s1 =	rddreg [dreg:$0x1];
	p0 =	sne.s32 s2, $0x0  }
0x3c: {  	s3 =	rddreg [dreg:$0x2];
	[bflag:$0x3] =	sbarrier.arrive $0xFFFF;
	s2 =	simm.s32 @!p0 $0x1C02  }
0x3d: {  	[timem:s3], [sflag:s2] =	dma.local @!p0 [hbm:s0], s1  }
0x3e: {  	s0 =	simm.s32 @!p0 $0x2  }
0x3f: {  	_ =	swait.ge @!p0 [sflag:s0], s1  }
0x40: {  	s1 =	ssub.s32 @!p0 $0x0, s1;
	[sflag:s0] =	ssyncset.done @!p0 $0x0  }
0x41: {  	[sflag:s0] =	ssyncadd.s32 @!p0 s1  }
0x42: {  	[bflag:$0x3] =	sbarrier.arrive $0xFFFF  }
0x43: {  	_ =	shalt  }

</sc_bundles>
